<compile_context>
chip_gen: v7x
topology: tpu7x:2x2x1
jax: 0.10.2.dev20260603
libtpu: 0.0.44.dev20260713+nightly
codegen_flags: <defaults>
</compile_context>

<pallas_src>
import jax
import jax.numpy as jnp
from jax import lax
from jax.experimental import pallas as pl
from jax.experimental.pallas import tpu as pltpu
from jax.experimental.pallas import tpu_sc as plsc

NBBITS = 14
BK = 1 << NBBITS
NSIDE = 2 * BK
SHIFT = 31 - NBBITS
L = 128
RB = BK // L
RBITS = RB.bit_length() - 1
NTILE = 16
NCORE = 2


def _sc_hist(logits_ref, tgt_ref, cnt_ref,
             x_v, t_v, one_v, idx0_v, idx1_v, zero_v, sem0, sem1, cnt_sh):
    C, P = logits_ref.shape
    chunk = P // NTILE
    half = chunk // 2
    words = NSIDE // NTILE
    cid = lax.axis_index("c")
    sid = lax.axis_index("s")
    base = sid * chunk

    def _fill_one(j, _):
        one_v[pl.ds(j * 16, 16)] = jnp.ones((16,), jnp.float32)
        return 0
    lax.fori_loop(0, half // 16, _fill_one, 0)

    def _fill_zero(j, _):
        zero_v[pl.ds(j * 16, 16)] = jnp.zeros((16,), jnp.float32)
        return 0
    lax.fori_loop(0, words // 16, _fill_zero, 0)
    pltpu.sync_copy(tgt_ref.at[pl.ds(base, chunk)], t_v)

    def _class(cls, _):
        @pl.when(lax.rem(cls, NCORE) == cid)
        def _go():
            pltpu.sync_copy(zero_v, cnt_sh.at[pl.ds(sid * words, words)])
            pltpu.sync_copy(logits_ref.at[cls, pl.ds(base, chunk)], x_v)

            def _mk_blk(off, dst):
                def _blk(j, _):
                    for q in range(8):
                        src_sl = pl.ds(off + j * 128 + q * 16, 16)
                        x = x_v[src_sl]
                        t = t_v[src_sl]
                        fgb = t == cls
                        p = jnp.exp(x)
                        e = jnp.abs(jnp.where(fgb, 1.0, 0.0) - p)
                        bits = lax.shift_right_logical(
                            plsc.bitcast(e, jnp.int32), SHIFT)
                        o = ((bits & (RB - 1)) << 7) | lax.shift_right_logical(
                            bits, RBITS)
                        idx = jnp.where(fgb, o + BK, o)
                        dst[pl.ds(j * 128 + q * 16, 16)] = idx
                    return 0
                return _blk

            lax.fori_loop(0, half // 128, _mk_blk(0, idx0_v), 0)
            plsc.subcore_barrier()
            h0 = pltpu.async_copy(one_v, cnt_sh.at[idx0_v], sem0, add=True)
            lax.fori_loop(0, half // 128, _mk_blk(half, idx1_v), 0)
            h1 = pltpu.async_copy(one_v, cnt_sh.at[idx1_v], sem1, add=True)
            h0.wait()
            h1.wait()
            plsc.subcore_barrier()

            pltpu.sync_copy(cnt_sh.at[pl.ds(sid * words, words)],
                            cnt_ref.at[cls, pl.ds(sid * words, words)])
        return 0
    lax.fori_loop(0, C, _class, 0)


def _log_shift_cumsum_rows(x, row_iota, rbits):
    t = x
    for m in range(rbits):
        s = 1 << m
        t = t + jnp.where(row_iota >= s, jnp.roll(t, s, axis=0), 0.0)
    return t


def _lane_exclusive_prefix(v, col_iota1, lbits):
    t = v
    for m in range(lbits):
        s = 1 << m
        t = t + jnp.where(col_iota1 >= s, jnp.roll(t, s, axis=1), 0.0)
    return t - v


def _cumsum_l(x, row, col1):
    s_col = _log_shift_cumsum_rows(x, row, RBITS)
    colsum = s_col[RB - 1 : RB, :]
    off = _lane_exclusive_prefix(colsum, col1, L.bit_length() - 1)
    return s_col + off


def _tc_bucket_body(cnt_ref, out_ref, acc_ref):
    c = pl.program_id(0)

    @pl.when(c == 0)
    def _init():
        acc_ref[0] = 0.0
        acc_ref[1] = 0.0

    nb = cnt_ref[0, 0]
    nf = cnt_ref[0, 1]

    row = lax.broadcasted_iota(jnp.int32, (RB, L), 0)
    col = lax.broadcasted_iota(jnp.int32, (RB, L), 1)
    col1 = lax.broadcasted_iota(jnp.int32, (1, L), 1)

    bucket = col * RB + row
    cb = (bucket << SHIFT) | (1 << (SHIFT - 1))
    cb = jnp.minimum(cb, jnp.int32(0x7EFFFFFF))
    center = lax.bitcast_convert_type(cb, jnp.float32)
    ef = nf * center
    eb = nb * center

    Pf = _cumsum_l(nf, row, col1)
    Pb = _cumsum_l(nb, row, col1)
    G = jnp.sum(nf)
    NBt = jnp.sum(nb)
    B0 = NBt - Pb
    u0 = jnp.maximum(G + B0, 1.0)
    u1 = jnp.maximum(G + B0 + nb, 1.0)
    fg_part = jnp.sum(ef / u0)
    bg_part = jnp.sum(eb * (Pf - nf) / (u0 * u1))
    loss_c = fg_part + bg_part
    present = (G > 0.0).astype(jnp.float32)

    acc_ref[0] = acc_ref[0] + loss_c * present
    acc_ref[1] = acc_ref[1] + present
    cnt = acc_ref[1]
    res = jnp.where(cnt > 0.0, acc_ref[0] / cnt, 0.0)
    out_ref[...] = jnp.broadcast_to(res, (1, 1))


def kernel(inputs, targets):
    P, C = inputs.shape
    chunk = P // NTILE
    logits_t = inputs.T
    tgt = targets.astype(jnp.int32)

    mesh = plsc.VectorSubcoreMesh(core_axis_name="c", subcore_axis_name="s")
    hist = pl.kernel(
        _sc_hist,
        mesh=mesh,
        compiler_params=pltpu.CompilerParams(needs_layout_passes=False),
        out_type=jax.ShapeDtypeStruct((C, NSIDE), jnp.float32),
        scratch_types=[
            pltpu.VMEM((chunk,), jnp.float32),
            pltpu.VMEM((chunk,), jnp.int32),
            pltpu.VMEM((chunk // 2,), jnp.float32),
            pltpu.VMEM((chunk // 2,), jnp.int32),
            pltpu.VMEM((chunk // 2,), jnp.int32),
            pltpu.VMEM((NSIDE // NTILE,), jnp.float32),
            pltpu.SemaphoreType.DMA,
            pltpu.SemaphoreType.DMA,
            pltpu.VMEM_SHARED((NSIDE,), jnp.float32),
        ],
    )
    cnt = hist(logits_t, tgt)

    cnt4 = cnt.reshape(C, 2, RB, L)
    out = pl.pallas_call(
        _tc_bucket_body,
        grid=(C,),
        in_specs=[
            pl.BlockSpec((1, 2, RB, L), lambda c: (c, 0, 0, 0)),
        ],
        out_specs=pl.BlockSpec((1, 1), lambda c: (0, 0)),
        out_shape=jax.ShapeDtypeStruct((1, 1), jnp.float32),
        scratch_shapes=[pltpu.SMEM((2,), jnp.float32)],
    )(cnt4)
    return out[0, 0]

# --- scband reference (transcript-rebuilt; emitter-appended) ---
"""Pipeline reference for scband-lovasz-softmax-loss-79534204387675 (READ-ONLY COPY).

The authoritative reference and input builder live on the scoring server;
editing this copy changes nothing except your own understanding.
"""

import jax, jax.numpy as jnp
import numpy as np

P = 262144
C = 19


def setup_inputs(seed: int = 0) -> dict:
    key = jax.random.key(seed)
    k1, k2 = jax.random.split(key)
    inputs = jax.random.normal(k1, (P, C), dtype=jnp.float32)
    targets = jax.random.randint(k2, (P,), 0, C, dtype=jnp.int32)
    return {"inputs": inputs, "targets": targets}


def _lovasz_grad(fg_sorted):
    # fg_sorted: [P] float, sorted by descending error
    gts = fg_sorted.sum()
    intersection = gts - jnp.cumsum(fg_sorted)
    union = gts + jnp.cumsum(1.0 - fg_sorted)
    jaccard = 1.0 - intersection / union
    jaccard = jnp.concatenate([jaccard[:1], jaccard[1:] - jaccard[:-1]])
    return jaccard


def reference(inputs, targets):
    probas = jnp.exp(inputs)
    num_classes = probas.shape[1]
    total = jnp.asarray(0.0, dtype=jnp.float32)
    count = jnp.asarray(0.0, dtype=jnp.float32)
    for c in range(num_classes):
        fg = (targets == c).astype(jnp.float32)
        present = (fg.sum() > 0).astype(jnp.float32)
        class_pred = probas[:, c]
        errors = jnp.abs(fg - class_pred)
        perm = jnp.argsort(-errors)  # descending sort of errors
        errors_sorted = errors[perm]
        fg_sorted = fg[perm]
        # lovasz grad is computed from ground truth only -> detached in torch
        grad = jax.lax.stop_gradient(_lovasz_grad(fg_sorted))
        loss_c = jnp.dot(errors_sorted, grad)
        # classes='present': skip classes absent from labels
        total = total + loss_c * present
        count = count + present
    return total / count

if __name__ == "__main__":
    import jax
    _d = setup_inputs()
    print(jax.jit(kernel)(*tuple(_d.values())))

</pallas_src>

<mosaic_0001>
#map = affine_map<(d0, d1) -> (0, 0)>
#map1 = affine_map<(d0, d1) -> (0)>
module attributes {stable_mosaic.version = 14 : i64} {
  func.func @_sc_hist(%arg0: i32, %arg1: i32, %arg2: memref<19x262144xf32, #tpu.memory_space<hbm>>, %arg3: memref<262144xi32, #tpu.memory_space<hbm>>, %arg4: memref<19x32768xf32, #tpu.memory_space<hbm>>, %arg5: memref<16384xf32, #tpu.memory_space<vmem>>, %arg6: memref<16384xi32, #tpu.memory_space<vmem>>, %arg7: memref<8192xf32, #tpu.memory_space<vmem>>, %arg8: memref<8192xi32, #tpu.memory_space<vmem>>, %arg9: memref<8192xi32, #tpu.memory_space<vmem>>, %arg10: memref<2048xf32, #tpu.memory_space<vmem>>, %arg11: memref<!tpu.dma_semaphore, #tpu.memory_space<semaphore_mem>>, %arg12: memref<!tpu.dma_semaphore, #tpu.memory_space<semaphore_mem>>, %arg13: memref<32768xf32, #tpu.memory_space<vmem_shared>>) attributes {dimension_semantics = [#tpu.dimension_semantics<core_parallel>, #tpu.dimension_semantics<subcore_parallel>], iteration_bounds = array<i64: 2, 16>, scalar_prefetch = 0 : i64, scratch_operands = 9 : i64, tpu.core_type = #tpu.core_type<sc_vector_subcore>, window_params = [{transform_indices = #map}, {transform_indices = #map1}, {transform_indices = #map}]} {
    %mul3A = arith.constant 16384 : i32
    %mul3A_0 = arith.muli %arg1, %mul3A : i32
    %scan3A = arith.constant 0 : i32
    %scan3A_1 = arith.constant 0 : i32
    %scan3A_2 = arith.constant 512 : i32
    %scan3A_3 = arith.addi %scan3A_1, %scan3A_2 : i32
    %scan3A_4 = arith.constant 1 : i32
    %scan3A_5 = scf.for %scan3A_21 = %scan3A_1 to %scan3A_3 step %scan3A_4 iter_args(%scan3A_22 = %scan3A) -> (i32)  : i32 {
      %broadcast_in_dim3A = arith.constant 1.000000e+00 : f32
      %broadcast_in_dim3A_23 = vector.broadcast %broadcast_in_dim3A : f32 to vector<16xf32>
      %mul3A_24 = arith.constant 16 : i32
      %mul3A_25 = arith.muli %scan3A_21, %mul3A_24 : i32
      %swap3A = arith.index_cast %mul3A_25 : i32 to index
      %swap3A_26 = tpu.vector_load %arg7[%swap3A] {strides = array<i32>} : memref<8192xf32, #tpu.memory_space<vmem>>, vector<16xf32>,
      tpu.vector_store %arg7[%swap3A], %broadcast_in_dim3A_23 {strides = array<i32>} : memref<8192xf32, #tpu.memory_space<vmem>>, vector<16xf32>,
      %scan3A_27 = arith.constant 0 : i32
      scf.yield %scan3A_27 : i32
    }
    %scan3A_6 = arith.constant 512 : i32
    %scan3A_7 = arith.constant 0 : i32
    %scan3A_8 = arith.constant 0 : i32
    %scan3A_9 = arith.constant 128 : i32
    %scan3A_10 = arith.addi %scan3A_8, %scan3A_9 : i32
    %scan3A_11 = arith.constant 1 : i32
    %scan3A_12 = scf.for %scan3A_21 = %scan3A_8 to %scan3A_10 step %scan3A_11 iter_args(%scan3A_22 = %scan3A_7) -> (i32)  : i32 {
      %broadcast_in_dim3A = arith.constant 0.000000e+00 : f32
      %broadcast_in_dim3A_23 = vector.broadcast %broadcast_in_dim3A : f32 to vector<16xf32>
      %mul3A_24 = arith.constant 16 : i32
      %mul3A_25 = arith.muli %scan3A_21, %mul3A_24 : i32
      %swap3A = arith.index_cast %mul3A_25 : i32 to index
      %swap3A_26 = tpu.vector_load %arg10[%swap3A] {strides = array<i32>} : memref<2048xf32, #tpu.memory_space<vmem>>, vector<16xf32>,
      tpu.vector_store %arg10[%swap3A], %broadcast_in_dim3A_23 {strides = array<i32>} : memref<2048xf32, #tpu.memory_space<vmem>>, vector<16xf32>,
      %scan3A_27 = arith.constant 0 : i32
      scf.yield %scan3A_27 : i32
    }
    %scan3A_13 = arith.constant 128 : i32
    "tpu.region"() ({
      %run_scoped3A = tpu.sem_alloc : memref<!tpu.dma_semaphore, #tpu.memory_space<semaphore_mem>>
      %dma_start3A = tpu.memref_slice %arg3[%mul3A_0] : memref<262144xi32, #tpu.memory_space<hbm>> -> memref<16384xi32, #tpu.memory_space<hbm>>
      %dma_start3A_21 = tpu.memref_slice %arg3[%mul3A_0] : memref<262144xi32, #tpu.memory_space<hbm>> -> memref<16384xi32, #tpu.memory_space<hbm>>
      tpu.enqueue_dma source(%dma_start3A_21 : memref<16384xi32, #tpu.memory_space<hbm>>) target(%arg6 : memref<16384xi32, #tpu.memory_space<vmem>>) target_semaphore(%run_scoped3A : memref<!tpu.dma_semaphore, #tpu.memory_space<semaphore_mem>>)
      %dma_wait3A = tpu.memref_slice %arg3[%mul3A_0] : memref<262144xi32, #tpu.memory_space<hbm>> -> memref<16384xi32, #tpu.memory_space<hbm>>
      %dma_wait3A_22 = tpu.memref_slice %arg3[%mul3A_0] : memref<262144xi32, #tpu.memory_space<hbm>> -> memref<16384xi32, #tpu.memory_space<hbm>>
      tpu.wait_dma2 semaphore(%run_scoped3A : memref<!tpu.dma_semaphore, #tpu.memory_space<semaphore_mem>>) src(%dma_wait3A_22 : memref<16384xi32, #tpu.memory_space<hbm>>) dst(%arg6 : memref<16384xi32, #tpu.memory_space<vmem>>)
      tpu.yield
    }) : () -> ()
    %scan3A_14 = arith.constant 0 : i32
    %scan3A_15 = arith.constant 0 : i32
    %scan3A_16 = arith.constant 19 : i32
    %scan3A_17 = arith.addi %scan3A_15, %scan3A_16 : i32
    %scan3A_18 = arith.constant 1 : i32
    %scan3A_19 = scf.for %scan3A_21 = %scan3A_15 to %scan3A_17 step %scan3A_18 iter_args(%scan3A_22 = %scan3A_14) -> (i32)  : i32 {
      %rem3A = arith.constant 2 : i32
      %rem3A_23 = arith.remsi %scan3A_21, %rem3A : i32
      %eq3A = arith.cmpi eq, %rem3A_23, %arg0 : i32
      %convert_element_type3A = arith.extui %eq3A : i1 to i32
      %cond3A = arith.constant 0 : i32
      %cond3A_24 = arith.cmpi ne, %convert_element_type3A, %cond3A : i32
      scf.if %cond3A_24 {
        %mul3A_26 = arith.constant 2048 : i32
        %mul3A_27 = arith.muli %arg1, %mul3A_26 : i32
        "tpu.region"() ({
          %run_scoped3A = tpu.sem_alloc : memref<!tpu.dma_semaphore, #tpu.memory_space<semaphore_mem>>
          %dma_start3A_53 = tpu.memref_slice %arg13[%mul3A_27] : memref<32768xf32, #tpu.memory_space<vmem_shared>> -> memref<2048xf32, #tpu.memory_space<vmem_shared>>
          %dma_start3A_54 = tpu.memref_slice %arg13[%mul3A_27] : memref<32768xf32, #tpu.memory_space<vmem_shared>> -> memref<2048xf32, #tpu.memory_space<vmem_shared>>
          tpu.enqueue_dma source(%arg10 : memref<2048xf32, #tpu.memory_space<vmem>>) target(%dma_start3A_54 : memref<2048xf32, #tpu.memory_space<vmem_shared>>) target_semaphore(%run_scoped3A : memref<!tpu.dma_semaphore, #tpu.memory_space<semaphore_mem>>)
          %dma_wait3A_55 = tpu.memref_slice %arg13[%mul3A_27] : memref<32768xf32, #tpu.memory_space<vmem_shared>> -> memref<2048xf32, #tpu.memory_space<vmem_shared>>
          %dma_wait3A_56 = tpu.memref_slice %arg13[%mul3A_27] : memref<32768xf32, #tpu.memory_space<vmem_shared>> -> memref<2048xf32, #tpu.memory_space<vmem_shared>>
          tpu.wait_dma2 semaphore(%run_scoped3A : memref<!tpu.dma_semaphore, #tpu.memory_space<semaphore_mem>>) src(%arg10 : memref<2048xf32, #tpu.memory_space<vmem>>) dst(%dma_wait3A_56 : memref<2048xf32, #tpu.memory_space<vmem_shared>>)
          tpu.yield
        }) : () -> ()
        "tpu.region"() ({
          %run_scoped3A = tpu.sem_alloc : memref<!tpu.dma_semaphore, #tpu.memory_space<semaphore_mem>>
          %dma_start3A_53 = tpu.memref_slice %arg2[%scan3A_21, %mul3A_0] : memref<19x262144xf32, #tpu.memory_space<hbm>> -> memref<1x16384xf32, #tpu.memory_space<hbm>>
          %dma_start3A_54 = tpu.memref_squeeze %dma_start3A_53 : memref<1x16384xf32, #tpu.memory_space<hbm>> -> memref<16384xf32, #tpu.memory_space<hbm>>
          %dma_start3A_55 = tpu.memref_slice %arg2[%scan3A_21, %mul3A_0] : memref<19x262144xf32, #tpu.memory_space<hbm>> -> memref<1x16384xf32, #tpu.memory_space<hbm>>
          %dma_start3A_56 = tpu.memref_squeeze %dma_start3A_55 : memref<1x16384xf32, #tpu.memory_space<hbm>> -> memref<16384xf32, #tpu.memory_space<hbm>>
          tpu.enqueue_dma source(%dma_start3A_56 : memref<16384xf32, #tpu.memory_space<hbm>>) target(%arg5 : memref<16384xf32, #tpu.memory_space<vmem>>) target_semaphore(%run_scoped3A : memref<!tpu.dma_semaphore, #tpu.memory_space<semaphore_mem>>)
          %dma_wait3A_57 = tpu.memref_slice %arg2[%scan3A_21, %mul3A_0] : memref<19x262144xf32, #tpu.memory_space<hbm>> -> memref<1x16384xf32, #tpu.memory_space<hbm>>
          %dma_wait3A_58 = tpu.memref_squeeze %dma_wait3A_57 : memref<1x16384xf32, #tpu.memory_space<hbm>> -> memref<16384xf32, #tpu.memory_space<hbm>>
          %dma_wait3A_59 = tpu.memref_slice %arg2[%scan3A_21, %mul3A_0] : memref<19x262144xf32, #tpu.memory_space<hbm>> -> memref<1x16384xf32, #tpu.memory_space<hbm>>
          %dma_wait3A_60 = tpu.memref_squeeze %dma_wait3A_59 : memref<1x16384xf32, #tpu.memory_space<hbm>> -> memref<16384xf32, #tpu.memory_space<hbm>>
          tpu.wait_dma2 semaphore(%run_scoped3A : memref<!tpu.dma_semaphore, #tpu.memory_space<semaphore_mem>>) src(%dma_wait3A_60 : memref<16384xf32, #tpu.memory_space<hbm>>) dst(%arg5 : memref<16384xf32, #tpu.memory_space<vmem>>)
          tpu.yield
        }) : () -> ()
        %scan3A_28 = arith.constant 0 : i32
        %scan3A_29 = arith.constant 0 : i32
        %scan3A_30 = arith.constant 64 : i32
        %scan3A_31 = arith.addi %scan3A_29, %scan3A_30 : i32
        %scan3A_32 = arith.constant 1 : i32
        %scan3A_33 = scf.for %scan3A_53 = %scan3A_29 to %scan3A_31 step %scan3A_32 iter_args(%scan3A_54 = %scan3A_28) -> (i32)  : i32 {
          %mul3A_55 = arith.constant 128 : i32
          %mul3A_56 = arith.muli %scan3A_53, %mul3A_55 : i32
          %add3A = arith.constant 0 : i32
          %add3A_57 = arith.addi %add3A, %mul3A_56 : i32
          %add3A_58 = arith.constant 0 : i32
          %add3A_59 = arith.addi %add3A_57, %add3A_58 : i32
          %get3A = arith.index_cast %add3A_59 : i32 to index
          %get3A_60 = tpu.vector_load %arg5[%get3A] {strides = array<i32>} : memref<16384xf32, #tpu.memory_space<vmem>>, vector<16xf32>,
          %get3A_61 = arith.index_cast %add3A_59 : i32 to index
          %get3A_62 = tpu.vector_load %arg6[%get3A_61] {strides = array<i32>} : memref<16384xi32, #tpu.memory_space<vmem>>, vector<16xi32>,
          %eq3A_63 = vector.broadcast %scan3A_21 : i32 to vector<16xi32>
          %eq3A_64 = arith.cmpi eq, %get3A_62, %eq3A_63 : vector<16xi32>
          %exp3A = math.exp %get3A_60 : vector<16xf32>
          %jit3A = arith.constant 1.000000e+00 : f32
          %jit3A_65 = arith.constant 0.000000e+00 : f32
          %broadcast_in_dim3A = vector.broadcast %jit3A : f32 to vector<16xf32>
          %broadcast_in_dim3A_66 = vector.broadcast %jit3A_65 : f32 to vector<16xf32>
          %select_n3A = arith.select %eq3A_64, %broadcast_in_dim3A, %broadcast_in_dim3A_66 : vector<16xi1>, vector<16xf32>
          %sub3A = arith.subf %select_n3A, %exp3A : vector<16xf32>
          %abs3A = math.absf %sub3A : vector<16xf32>
          %bitcast3A = vector.bitcast %abs3A : vector<16xf32> to vector<16xi32>
          %shift_right_logical3A = arith.constant 17 : i32
          %shift_right_logical3A_67 = vector.broadcast %shift_right_logical3A : i32 to vector<16xi32>
          %shift_right_logical3A_68 = arith.shrui %bitcast3A, %shift_right_logical3A_67 : vector<16xi32>
          %and3A = arith.constant 127 : i32
          %and3A_69 = vector.broadcast %and3A : i32 to vector<16xi32>
          %and3A_70 = arith.andi %shift_right_logical3A_68, %and3A_69 : vector<16xi32>
          %shift_left3A = arith.constant 7 : i32
          %shift_left3A_71 = vector.broadcast %shift_left3A : i32 to vector<16xi32>
          %shift_left3A_72 = arith.shli %and3A_70, %shift_left3A_71 : vector<16xi32>
          %shift_right_logical3A_73 = arith.constant 7 : i32
          %shift_right_logical3A_74 = vector.broadcast %shift_right_logical3A_73 : i32 to vector<16xi32>
          %shift_right_logical3A_75 = arith.shrui %shift_right_logical3A_68, %shift_right_logical3A_74 : vector<16xi32>
          %or3A = arith.ori %shift_left3A_72, %shift_right_logical3A_75 : vector<16xi32>
          %add3A_76 = arith.constant 16384 : i32
          %add3A_77 = vector.broadcast %add3A_76 : i32 to vector<16xi32>
          %add3A_78 = arith.addi %or3A, %add3A_77 : vector<16xi32>
          %select_n3A_79 = arith.select %eq3A_64, %add3A_78, %or3A : vector<16xi1>, vector<16xi32>
          %mul3A_80 = arith.constant 128 : i32
          %mul3A_81 = arith.muli %scan3A_53, %mul3A_80 : i32
          %add3A_82 = arith.constant 0 : i32
          %add3A_83 = arith.addi %mul3A_81, %add3A_82 : i32
          %swap3A = arith.index_cast %add3A_83 : i32 to index
          %swap3A_84 = tpu.vector_load %arg8[%swap3A] {strides = array<i32>} : memref<8192xi32, #tpu.memory_space<vmem>>, vector<16xi32>,
          tpu.vector_store %arg8[%swap3A], %select_n3A_79 {strides = array<i32>} : memref<8192xi32, #tpu.memory_space<vmem>>, vector<16xi32>,
          %mul3A_85 = arith.constant 128 : i32
          %mul3A_86 = arith.muli %scan3A_53, %mul3A_85 : i32
          %add3A_87 = arith.constant 0 : i32
          %add3A_88 = arith.addi %add3A_87, %mul3A_86 : i32
          %add3A_89 = arith.constant 16 : i32
          %add3A_90 = arith.addi %add3A_88, %add3A_89 : i32
          %get3A_91 = arith.index_cast %add3A_90 : i32 to index
          %get3A_92 = tpu.vector_load %arg5[%get3A_91] {strides = array<i32>} : memref<16384xf32, #tpu.memory_space<vmem>>, vector<16xf32>,
          %get3A_93 = arith.index_cast %add3A_90 : i32 to index
          %get3A_94 = tpu.vector_load %arg6[%get3A_93] {strides = array<i32>} : memref<16384xi32, #tpu.memory_space<vmem>>, vector<16xi32>,
          %eq3A_95 = vector.broadcast %scan3A_21 : i32 to vector<16xi32>
          %eq3A_96 = arith.cmpi eq, %get3A_94, %eq3A_95 : vector<16xi32>
          %exp3A_97 = math.exp %get3A_92 : vector<16xf32>
          %jit3A_98 = arith.constant 1.000000e+00 : f32
          %jit3A_99 = arith.constant 0.000000e+00 : f32
          %broadcast_in_dim3A_100 = vector.broadcast %jit3A_98 : f32 to vector<16xf32>
          %broadcast_in_dim3A_101 = vector.broadcast %jit3A_99 : f32 to vector<16xf32>
          %select_n3A_102 = arith.select %eq3A_96, %broadcast_in_dim3A_100, %broadcast_in_dim3A_101 : vector<16xi1>, vector<16xf32>
          %sub3A_103 = arith.subf %select_n3A_102, %exp3A_97 : vector<16xf32>
          %abs3A_104 = math.absf %sub3A_103 : vector<16xf32>
          %bitcast3A_105 = vector.bitcast %abs3A_104 : vector<16xf32> to vector<16xi32>
          %shift_right_logical3A_106 = arith.constant 17 : i32
          %shift_right_logical3A_107 = vector.broadcast %shift_right_logical3A_106 : i32 to vector<16xi32>
          %shift_right_logical3A_108 = arith.shrui %bitcast3A_105, %shift_right_logical3A_107 : vector<16xi32>
          %and3A_109 = arith.constant 127 : i32
          %and3A_110 = vector.broadcast %and3A_109 : i32 to vector<16xi32>
          %and3A_111 = arith.andi %shift_right_logical3A_108, %and3A_110 : vector<16xi32>
          %shift_left3A_112 = arith.constant 7 : i32
          %shift_left3A_113 = vector.broadcast %shift_left3A_112 : i32 to vector<16xi32>
          %shift_left3A_114 = arith.shli %and3A_111, %shift_left3A_113 : vector<16xi32>
          %shift_right_logical3A_115 = arith.constant 7 : i32
          %shift_right_logical3A_116 = vector.broadcast %shift_right_logical3A_115 : i32 to vector<16xi32>
          %shift_right_logical3A_117 = arith.shrui %shift_right_logical3A_108, %shift_right_logical3A_116 : vector<16xi32>
          %or3A_118 = arith.ori %shift_left3A_114, %shift_right_logical3A_117 : vector<16xi32>
          %add3A_119 = arith.constant 16384 : i32
          %add3A_120 = vector.broadcast %add3A_119 : i32 to vector<16xi32>
          %add3A_121 = arith.addi %or3A_118, %add3A_120 : vector<16xi32>
          %select_n3A_122 = arith.select %eq3A_96, %add3A_121, %or3A_118 : vector<16xi1>, vector<16xi32>
          %mul3A_123 = arith.constant 128 : i32
          %mul3A_124 = arith.muli %scan3A_53, %mul3A_123 : i32
          %add3A_125 = arith.constant 16 : i32
          %add3A_126 = arith.addi %mul3A_124, %add3A_125 : i32
          %swap3A_127 = arith.index_cast %add3A_126 : i32 to index
          %swap3A_128 = tpu.vector_load %arg8[%swap3A_127] {strides = array<i32>} : memref<8192xi32, #tpu.memory_space<vmem>>, vector<16xi32>,
          tpu.vector_store %arg8[%swap3A_127], %select_n3A_122 {strides = array<i32>} : memref<8192xi32, #tpu.memory_space<vmem>>, vector<16xi32>,
          %mul3A_129 = arith.constant 128 : i32
          %mul3A_130 = arith.muli %scan3A_53, %mul3A_129 : i32
          %add3A_131 = arith.constant 0 : i32
          %add3A_132 = arith.addi %add3A_131, %mul3A_130 : i32
          %add3A_133 = arith.constant 32 : i32
          %add3A_134 = arith.addi %add3A_132, %add3A_133 : i32
          %get3A_135 = arith.index_cast %add3A_134 : i32 to index
          %get3A_136 = tpu.vector_load %arg5[%get3A_135] {strides = array<i32>} : memref<16384xf32, #tpu.memory_space<vmem>>, vector<16xf32>,
          %get3A_137 = arith.index_cast %add3A_134 : i32 to index
          %get3A_138 = tpu.vector_load %arg6[%get3A_137] {strides = array<i32>} : memref<16384xi32, #tpu.memory_space<vmem>>, vector<16xi32>,
          %eq3A_139 = vector.broadcast %scan3A_21 : i32 to vector<16xi32>
          %eq3A_140 = arith.cmpi eq, %get3A_138, %eq3A_139 : vector<16xi32>
          %exp3A_141 = math.exp %get3A_136 : vector<16xf32>
          %jit3A_142 = arith.constant 1.000000e+00 : f32
          %jit3A_143 = arith.constant 0.000000e+00 : f32
          %broadcast_in_dim3A_144 = vector.broadcast %jit3A_142 : f32 to vector<16xf32>
          %broadcast_in_dim3A_145 = vector.broadcast %jit3A_143 : f32 to vector<16xf32>
          %select_n3A_146 = arith.select %eq3A_140, %broadcast_in_dim3A_144, %broadcast_in_dim3A_145 : vector<16xi1>, vector<16xf32>
          %sub3A_147 = arith.subf %select_n3A_146, %exp3A_141 : vector<16xf32>
          %abs3A_148 = math.absf %sub3A_147 : vector<16xf32>
          %bitcast3A_149 = vector.bitcast %abs3A_148 : vector<16xf32> to vector<16xi32>
          %shift_right_logical3A_150 = arith.constant 17 : i32
          %shift_right_logical3A_151 = vector.broadcast %shift_right_logical3A_150 : i32 to vector<16xi32>
          %shift_right_logical3A_152 = arith.shrui %bitcast3A_149, %shift_right_logical3A_151 : vector<16xi32>
          %and3A_153 = arith.constant 127 : i32
          %and3A_154 = vector.broadcast %and3A_153 : i32 to vector<16xi32>
          %and3A_155 = arith.andi %shift_right_logical3A_152, %and3A_154 : vector<16xi32>
          %shift_left3A_156 = arith.constant 7 : i32
          %shift_left3A_157 = vector.broadcast %shift_left3A_156 : i32 to vector<16xi32>
          %shift_left3A_158 = arith.shli %and3A_155, %shift_left3A_157 : vector<16xi32>
          %shift_right_logical3A_159 = arith.constant 7 : i32
          %shift_right_logical3A_160 = vector.broadcast %shift_right_logical3A_159 : i32 to vector<16xi32>
          %shift_right_logical3A_161 = arith.shrui %shift_right_logical3A_152, %shift_right_logical3A_160 : vector<16xi32>
          %or3A_162 = arith.ori %shift_left3A_158, %shift_right_logical3A_161 : vector<16xi32>
          %add3A_163 = arith.constant 16384 : i32
          %add3A_164 = vector.broadcast %add3A_163 : i32 to vector<16xi32>
          %add3A_165 = arith.addi %or3A_162, %add3A_164 : vector<16xi32>
          %select_n3A_166 = arith.select %eq3A_140, %add3A_165, %or3A_162 : vector<16xi1>, vector<16xi32>
          %mul3A_167 = arith.constant 128 : i32
          %mul3A_168 = arith.muli %scan3A_53, %mul3A_167 : i32
          %add3A_169 = arith.constant 32 : i32
          %add3A_170 = arith.addi %mul3A_168, %add3A_169 : i32
          %swap3A_171 = arith.index_cast %add3A_170 : i32 to index
          %swap3A_172 = tpu.vector_load %arg8[%swap3A_171] {strides = array<i32>} : memref<8192xi32, #tpu.memory_space<vmem>>, vector<16xi32>,
          tpu.vector_store %arg8[%swap3A_171], %select_n3A_166 {strides = array<i32>} : memref<8192xi32, #tpu.memory_space<vmem>>, vector<16xi32>,
          %mul3A_173 = arith.constant 128 : i32
          %mul3A_174 = arith.muli %scan3A_53, %mul3A_173 : i32
          %add3A_175 = arith.constant 0 : i32
          %add3A_176 = arith.addi %add3A_175, %mul3A_174 : i32
          %add3A_177 = arith.constant 48 : i32
          %add3A_178 = arith.addi %add3A_176, %add3A_177 : i32
          %get3A_179 = arith.index_cast %add3A_178 : i32 to index
          %get3A_180 = tpu.vector_load %arg5[%get3A_179] {strides = array<i32>} : memref<16384xf32, #tpu.memory_space<vmem>>, vector<16xf32>,
          %get3A_181 = arith.index_cast %add3A_178 : i32 to index
          %get3A_182 = tpu.vector_load %arg6[%get3A_181] {strides = array<i32>} : memref<16384xi32, #tpu.memory_space<vmem>>, vector<16xi32>,
          %eq3A_183 = vector.broadcast %scan3A_21 : i32 to vector<16xi32>
          %eq3A_184 = arith.cmpi eq, %get3A_182, %eq3A_183 : vector<16xi32>
          %exp3A_185 = math.exp %get3A_180 : vector<16xf32>
          %jit3A_186 = arith.constant 1.000000e+00 : f32
          %jit3A_187 = arith.constant 0.000000e+00 : f32
          %broadcast_in_dim3A_188 = vector.broadcast %jit3A_186 : f32 to vector<16xf32>
          %broadcast_in_dim3A_189 = vector.broadcast %jit3A_187 : f32 to vector<16xf32>
          %select_n3A_190 = arith.select %eq3A_184, %broadcast_in_dim3A_188, %broadcast_in_dim3A_189 : vector<16xi1>, vector<16xf32>
          %sub3A_191 = arith.subf %select_n3A_190, %exp3A_185 : vector<16xf32>
          %abs3A_192 = math.absf %sub3A_191 : vector<16xf32>
          %bitcast3A_193 = vector.bitcast %abs3A_192 : vector<16xf32> to vector<16xi32>
          %shift_right_logical3A_194 = arith.constant 17 : i32
          %shift_right_logical3A_195 = vector.broadcast %shift_right_logical3A_194 : i32 to vector<16xi32>
          %shift_right_logical3A_196 = arith.shrui %bitcast3A_193, %shift_right_logical3A_195 : vector<16xi32>
          %and3A_197 = arith.constant 127 : i32
          %and3A_198 = vector.broadcast %and3A_197 : i32 to vector<16xi32>
          %and3A_199 = arith.andi %shift_right_logical3A_196, %and3A_198 : vector<16xi32>
          %shift_left3A_200 = arith.constant 7 : i32
          %shift_left3A_201 = vector.broadcast %shift_left3A_200 : i32 to vector<16xi32>
          %shift_left3A_202 = arith.shli %and3A_199, %shift_left3A_201 : vector<16xi32>
          %shift_right_logical3A_203 = arith.constant 7 : i32
          %shift_right_logical3A_204 = vector.broadcast %shift_right_logical3A_203 : i32 to vector<16xi32>
          %shift_right_logical3A_205 = arith.shrui %shift_right_logical3A_196, %shift_right_logical3A_204 : vector<16xi32>
          %or3A_206 = arith.ori %shift_left3A_202, %shift_right_logical3A_205 : vector<16xi32>
          %add3A_207 = arith.constant 16384 : i32
          %add3A_208 = vector.broadcast %add3A_207 : i32 to vector<16xi32>
          %add3A_209 = arith.addi %or3A_206, %add3A_208 : vector<16xi32>
          %select_n3A_210 = arith.select %eq3A_184, %add3A_209, %or3A_206 : vector<16xi1>, vector<16xi32>
          %mul3A_211 = arith.constant 128 : i32
          %mul3A_212 = arith.muli %scan3A_53, %mul3A_211 : i32
          %add3A_213 = arith.constant 48 : i32
          %add3A_214 = arith.addi %mul3A_212, %add3A_213 : i32
          %swap3A_215 = arith.index_cast %add3A_214 : i32 to index
          %swap3A_216 = tpu.vector_load %arg8[%swap3A_215] {strides = array<i32>} : memref<8192xi32, #tpu.memory_space<vmem>>, vector<16xi32>,
          tpu.vector_store %arg8[%swap3A_215], %select_n3A_210 {strides = array<i32>} : memref<8192xi32, #tpu.memory_space<vmem>>, vector<16xi32>,
          %mul3A_217 = arith.constant 128 : i32
          %mul3A_218 = arith.muli %scan3A_53, %mul3A_217 : i32
          %add3A_219 = arith.constant 0 : i32
          %add3A_220 = arith.addi %add3A_219, %mul3A_218 : i32
          %add3A_221 = arith.constant 64 : i32
          %add3A_222 = arith.addi %add3A_220, %add3A_221 : i32
          %get3A_223 = arith.index_cast %add3A_222 : i32 to index
          %get3A_224 = tpu.vector_load %arg5[%get3A_223] {strides = array<i32>} : memref<16384xf32, #tpu.memory_space<vmem>>, vector<16xf32>,
          %get3A_225 = arith.index_cast %add3A_222 : i32 to index
          %get3A_226 = tpu.vector_load %arg6[%get3A_225] {strides = array<i32>} : memref<16384xi32, #tpu.memory_space<vmem>>, vector<16xi32>,
          %eq3A_227 = vector.broadcast %scan3A_21 : i32 to vector<16xi32>
          %eq3A_228 = arith.cmpi eq, %get3A_226, %eq3A_227 : vector<16xi32>
          %exp3A_229 = math.exp %get3A_224 : vector<16xf32>
          %jit3A_230 = arith.constant 1.000000e+00 : f32
          %jit3A_231 = arith.constant 0.000000e+00 : f32
          %broadcast_in_dim3A_232 = vector.broadcast %jit3A_230 : f32 to vector<16xf32>
          %broadcast_in_dim3A_233 = vector.broadcast %jit3A_231 : f32 to vector<16xf32>
          %select_n3A_234 = arith.select %eq3A_228, %broadcast_in_dim3A_232, %broadcast_in_dim3A_233 : vector<16xi1>, vector<16xf32>
          %sub3A_235 = arith.subf %select_n3A_234, %exp3A_229 : vector<16xf32>
          %abs3A_236 = math.absf %sub3A_235 : vector<16xf32>
          %bitcast3A_237 = vector.bitcast %abs3A_236 : vector<16xf32> to vector<16xi32>
          %shift_right_logical3A_238 = arith.constant 17 : i32
          %shift_right_logical3A_239 = vector.broadcast %shift_right_logical3A_238 : i32 to vector<16xi32>
          %shift_right_logical3A_240 = arith.shrui %bitcast3A_237, %shift_right_logical3A_239 : vector<16xi32>
          %and3A_241 = arith.constant 127 : i32
          %and3A_242 = vector.broadcast %and3A_241 : i32 to vector<16xi32>
          %and3A_243 = arith.andi %shift_right_logical3A_240, %and3A_242 : vector<16xi32>
          %shift_left3A_244 = arith.constant 7 : i32
          %shift_left3A_245 = vector.broadcast %shift_left3A_244 : i32 to vector<16xi32>
          %shift_left3A_246 = arith.shli %and3A_243, %shift_left3A_245 : vector<16xi32>
          %shift_right_logical3A_247 = arith.constant 7 : i32
          %shift_right_logical3A_248 = vector.broadcast %shift_right_logical3A_247 : i32 to vector<16xi32>
          %shift_right_logical3A_249 = arith.shrui %shift_right_logical3A_240, %shift_right_logical3A_248 : vector<16xi32>
          %or3A_250 = arith.ori %shift_left3A_246, %shift_right_logical3A_249 : vector<16xi32>
          %add3A_251 = arith.constant 16384 : i32
          %add3A_252 = vector.broadcast %add3A_251 : i32 to vector<16xi32>
          %add3A_253 = arith.addi %or3A_250, %add3A_252 : vector<16xi32>
          %select_n3A_254 = arith.select %eq3A_228, %add3A_253, %or3A_250 : vector<16xi1>, vector<16xi32>
          %mul3A_255 = arith.constant 128 : i32
          %mul3A_256 = arith.muli %scan3A_53, %mul3A_255 : i32
          %add3A_257 = arith.constant 64 : i32
          %add3A_258 = arith.addi %mul3A_256, %add3A_257 : i32
          %swap3A_259 = arith.index_cast %add3A_258 : i32 to index
          %swap3A_260 = tpu.vector_load %arg8[%swap3A_259] {strides = array<i32>} : memref<8192xi32, #tpu.memory_space<vmem>>, vector<16xi32>,
          tpu.vector_store %arg8[%swap3A_259], %select_n3A_254 {strides = array<i32>} : memref<8192xi32, #tpu.memory_space<vmem>>, vector<16xi32>,
          %mul3A_261 = arith.constant 128 : i32
          %mul3A_262 = arith.muli %scan3A_53, %mul3A_261 : i32
          %add3A_263 = arith.constant 0 : i32
          %add3A_264 = arith.addi %add3A_263, %mul3A_262 : i32
          %add3A_265 = arith.constant 80 : i32
          %add3A_266 = arith.addi %add3A_264, %add3A_265 : i32
          %get3A_267 = arith.index_cast %add3A_266 : i32 to index
          %get3A_268 = tpu.vector_load %arg5[%get3A_267] {strides = array<i32>} : memref<16384xf32, #tpu.memory_space<vmem>>, vector<16xf32>,
          %get3A_269 = arith.index_cast %add3A_266 : i32 to index
          %get3A_270 = tpu.vector_load %arg6[%get3A_269] {strides = array<i32>} : memref<16384xi32, #tpu.memory_space<vmem>>, vector<16xi32>,
          %eq3A_271 = vector.broadcast %scan3A_21 : i32 to vector<16xi32>
          %eq3A_272 = arith.cmpi eq, %get3A_270, %eq3A_271 : vector<16xi32>
          %exp3A_273 = math.exp %get3A_268 : vector<16xf32>
          %jit3A_274 = arith.constant 1.000000e+00 : f32
          %jit3A_275 = arith.constant 0.000000e+00 : f32
          %broadcast_in_dim3A_276 = vector.broadcast %jit3A_274 : f32 to vector<16xf32>
          %broadcast_in_dim3A_277 = vector.broadcast %jit3A_275 : f32 to vector<16xf32>
          %select_n3A_278 = arith.select %eq3A_272, %broadcast_in_dim3A_276, %broadcast_in_dim3A_277 : vector<16xi1>, vector<16xf32>
          %sub3A_279 = arith.subf %select_n3A_278, %exp3A_273 : vector<16xf32>
          %abs3A_280 = math.absf %sub3A_279 : vector<16xf32>
          %bitcast3A_281 = vector.bitcast %abs3A_280 : vector<16xf32> to vector<16xi32>
          %shift_right_logical3A_282 = arith.constant 17 : i32
          %shift_right_logical3A_283 = vector.broadcast %shift_right_logical3A_282 : i32 to vector<16xi32>
          %shift_right_logical3A_284 = arith.shrui %bitcast3A_281, %shift_right_logical3A_283 : vector<16xi32>
          %and3A_285 = arith.constant 127 : i32
          %and3A_286 = vector.broadcast %and3A_285 : i32 to vector<16xi32>
          %and3A_287 = arith.andi %shift_right_logical3A_284, %and3A_286 : vector<16xi32>
          %shift_left3A_288 = arith.constant 7 : i32
          %shift_left3A_289 = vector.broadcast %shift_left3A_288 : i32 to vector<16xi32>
          %shift_left3A_290 = arith.shli %and3A_287, %shift_left3A_289 : vector<16xi32>
          %shift_right_logical3A_291 = arith.constant 7 : i32
          %shift_right_logical3A_292 = vector.broadcast %shift_right_logical3A_291 : i32 to vector<16xi32>
          %shift_right_logical3A_293 = arith.shrui %shift_right_logical3A_284, %shift_right_logical3A_292 : vector<16xi32>
          %or3A_294 = arith.ori %shift_left3A_290, %shift_right_logical3A_293 : vector<16xi32>
          %add3A_295 = arith.constant 16384 : i32
          %add3A_296 = vector.broadcast %add3A_295 : i32 to vector<16xi32>
          %add3A_297 = arith.addi %or3A_294, %add3A_296 : vector<16xi32>
          %select_n3A_298 = arith.select %eq3A_272, %add3A_297, %or3A_294 : vector<16xi1>, vector<16xi32>
          %mul3A_299 = arith.constant 128 : i32
          %mul3A_300 = arith.muli %scan3A_53, %mul3A_299 : i32
          %add3A_301 = arith.constant 80 : i32
          %add3A_302 = arith.addi %mul3A_300, %add3A_301 : i32
          %swap3A_303 = arith.index_cast %add3A_302 : i32 to index
          %swap3A_304 = tpu.vector_load %arg8[%swap3A_303] {strides = array<i32>} : memref<8192xi32, #tpu.memory_space<vmem>>, vector<16xi32>,
          tpu.vector_store %arg8[%swap3A_303], %select_n3A_298 {strides = array<i32>} : memref<8192xi32, #tpu.memory_space<vmem>>, vector<16xi32>,
          %mul3A_305 = arith.constant 128 : i32
          %mul3A_306 = arith.muli %scan3A_53, %mul3A_305 : i32
          %add3A_307 = arith.constant 0 : i32
          %add3A_308 = arith.addi %add3A_307, %mul3A_306 : i32
          %add3A_309 = arith.constant 96 : i32
          %add3A_310 = arith.addi %add3A_308, %add3A_309 : i32
          %get3A_311 = arith.index_cast %add3A_310 : i32 to index
          %get3A_312 = tpu.vector_load %arg5[%get3A_311] {strides = array<i32>} : memref<16384xf32, #tpu.memory_space<vmem>>, vector<16xf32>,
          %get3A_313 = arith.index_cast %add3A_310 : i32 to index
          %get3A_314 = tpu.vector_load %arg6[%get3A_313] {strides = array<i32>} : memref<16384xi32, #tpu.memory_space<vmem>>, vector<16xi32>,
          %eq3A_315 = vector.broadcast %scan3A_21 : i32 to vector<16xi32>
          %eq3A_316 = arith.cmpi eq, %get3A_314, %eq3A_315 : vector<16xi32>
          %exp3A_317 = math.exp %get3A_312 : vector<16xf32>
          %jit3A_318 = arith.constant 1.000000e+00 : f32
          %jit3A_319 = arith.constant 0.000000e+00 : f32
          %broadcast_in_dim3A_320 = vector.broadcast %jit3A_318 : f32 to vector<16xf32>
          %broadcast_in_dim3A_321 = vector.broadcast %jit3A_319 : f32 to vector<16xf32>
          %select_n3A_322 = arith.select %eq3A_316, %broadcast_in_dim3A_320, %broadcast_in_dim3A_321 : vector<16xi1>, vector<16xf32>
          %sub3A_323 = arith.subf %select_n3A_322, %exp3A_317 : vector<16xf32>
          %abs3A_324 = math.absf %sub3A_323 : vector<16xf32>
          %bitcast3A_325 = vector.bitcast %abs3A_324 : vector<16xf32> to vector<16xi32>
          %shift_right_logical3A_326 = arith.constant 17 : i32
          %shift_right_logical3A_327 = vector.broadcast %shift_right_logical3A_326 : i32 to vector<16xi32>
          %shift_right_logical3A_328 = arith.shrui %bitcast3A_325, %shift_right_logical3A_327 : vector<16xi32>
          %and3A_329 = arith.constant 127 : i32
          %and3A_330 = vector.broadcast %and3A_329 : i32 to vector<16xi32>
          %and3A_331 = arith.andi %shift_right_logical3A_328, %and3A_330 : vector<16xi32>
          %shift_left3A_332 = arith.constant 7 : i32
          %shift_left3A_333 = vector.broadcast %shift_left3A_332 : i32 to vector<16xi32>
          %shift_left3A_334 = arith.shli %and3A_331, %shift_left3A_333 : vector<16xi32>
          %shift_right_logical3A_335 = arith.constant 7 : i32
          %shift_right_logical3A_336 = vector.broadcast %shift_right_logical3A_335 : i32 to vector<16xi32>
          %shift_right_logical3A_337 = arith.shrui %shift_right_logical3A_328, %shift_right_logical3A_336 : vector<16xi32>
          %or3A_338 = arith.ori %shift_left3A_334, %shift_right_logical3A_337 : vector<16xi32>
          %add3A_339 = arith.constant 16384 : i32
          %add3A_340 = vector.broadcast %add3A_339 : i32 to vector<16xi32>
          %add3A_341 = arith.addi %or3A_338, %add3A_340 : vector<16xi32>
          %select_n3A_342 = arith.select %eq3A_316, %add3A_341, %or3A_338 : vector<16xi1>, vector<16xi32>
          %mul3A_343 = arith.constant 128 : i32
          %mul3A_344 = arith.muli %scan3A_53, %mul3A_343 : i32
          %add3A_345 = arith.constant 96 : i32
          %add3A_346 = arith.addi %mul3A_344, %add3A_345 : i32
          %swap3A_347 = arith.index_cast %add3A_346 : i32 to index
          %swap3A_348 = tpu.vector_load %arg8[%swap3A_347] {strides = array<i32>} : memref<8192xi32, #tpu.memory_space<vmem>>, vector<16xi32>,
          tpu.vector_store %arg8[%swap3A_347], %select_n3A_342 {strides = array<i32>} : memref<8192xi32, #tpu.memory_space<vmem>>, vector<16xi32>,
          %mul3A_349 = arith.constant 128 : i32
          %mul3A_350 = arith.muli %scan3A_53, %mul3A_349 : i32
          %add3A_351 = arith.constant 0 : i32
          %add3A_352 = arith.addi %add3A_351, %mul3A_350 : i32
          %add3A_353 = arith.constant 112 : i32
          %add3A_354 = arith.addi %add3A_352, %add3A_353 : i32
          %get3A_355 = arith.index_cast %add3A_354 : i32 to index
          %get3A_356 = tpu.vector_load %arg5[%get3A_355] {strides = array<i32>} : memref<16384xf32, #tpu.memory_space<vmem>>, vector<16xf32>,
          %get3A_357 = arith.index_cast %add3A_354 : i32 to index
          %get3A_358 = tpu.vector_load %arg6[%get3A_357] {strides = array<i32>} : memref<16384xi32, #tpu.memory_space<vmem>>, vector<16xi32>,
          %eq3A_359 = vector.broadcast %scan3A_21 : i32 to vector<16xi32>
          %eq3A_360 = arith.cmpi eq, %get3A_358, %eq3A_359 : vector<16xi32>
          %exp3A_361 = math.exp %get3A_356 : vector<16xf32>
          %jit3A_362 = arith.constant 1.000000e+00 : f32
          %jit3A_363 = arith.constant 0.000000e+00 : f32
          %broadcast_in_dim3A_364 = vector.broadcast %jit3A_362 : f32 to vector<16xf32>
          %broadcast_in_dim3A_365 = vector.broadcast %jit3A_363 : f32 to vector<16xf32>
          %select_n3A_366 = arith.select %eq3A_360, %broadcast_in_dim3A_364, %broadcast_in_dim3A_365 : vector<16xi1>, vector<16xf32>
          %sub3A_367 = arith.subf %select_n3A_366, %exp3A_361 : vector<16xf32>
          %abs3A_368 = math.absf %sub3A_367 : vector<16xf32>
          %bitcast3A_369 = vector.bitcast %abs3A_368 : vector<16xf32> to vector<16xi32>
          %shift_right_logical3A_370 = arith.constant 17 : i32
          %shift_right_logical3A_371 = vector.broadcast %shift_right_logical3A_370 : i32 to vector<16xi32>
          %shift_right_logical3A_372 = arith.shrui %bitcast3A_369, %shift_right_logical3A_371 : vector<16xi32>
          %and3A_373 = arith.constant 127 : i32
          %and3A_374 = vector.broadcast %and3A_373 : i32 to vector<16xi32>
          %and3A_375 = arith.andi %shift_right_logical3A_372, %and3A_374 : vector<16xi32>
          %shift_left3A_376 = arith.constant 7 : i32
          %shift_left3A_377 = vector.broadcast %shift_left3A_376 : i32 to vector<16xi32>
          %shift_left3A_378 = arith.shli %and3A_375, %shift_left3A_377 : vector<16xi32>
          %shift_right_logical3A_379 = arith.constant 7 : i32
          %shift_right_logical3A_380 = vector.broadcast %shift_right_logical3A_379 : i32 to vector<16xi32>
          %shift_right_logical3A_381 = arith.shrui %shift_right_logical3A_372, %shift_right_logical3A_380 : vector<16xi32>
          %or3A_382 = arith.ori %shift_left3A_378, %shift_right_logical3A_381 : vector<16xi32>
          %add3A_383 = arith.constant 16384 : i32
          %add3A_384 = vector.broadcast %add3A_383 : i32 to vector<16xi32>
          %add3A_385 = arith.addi %or3A_382, %add3A_384 : vector<16xi32>
          %select_n3A_386 = arith.select %eq3A_360, %add3A_385, %or3A_382 : vector<16xi1>, vector<16xi32>
          %mul3A_387 = arith.constant 128 : i32
          %mul3A_388 = arith.muli %scan3A_53, %mul3A_387 : i32
          %add3A_389 = arith.constant 112 : i32
          %add3A_390 = arith.addi %mul3A_388, %add3A_389 : i32
          %swap3A_391 = arith.index_cast %add3A_390 : i32 to index
          %swap3A_392 = tpu.vector_load %arg8[%swap3A_391] {strides = array<i32>} : memref<8192xi32, #tpu.memory_space<vmem>>, vector<16xi32>,
          tpu.vector_store %arg8[%swap3A_391], %select_n3A_386 {strides = array<i32>} : memref<8192xi32, #tpu.memory_space<vmem>>, vector<16xi32>,
          %scan3A_393 = arith.constant 0 : i32
          scf.yield %scan3A_393 : i32
        }
        %scan3A_34 = arith.constant 64 : i32
        %barrier3A = arith.constant 0 : index
        tpu.barrier barrier_id(%barrier3A)
        %dma_start3A = arith.constant 0 : i32
        %dma_start3A_35 = tpu.memref_slice %arg13[%dma_start3A] : memref<32768xf32, #tpu.memory_space<vmem_shared>> -> memref<32768xf32, #tpu.memory_space<vmem_shared>>
        tpu.enqueue_indirect_dma source(%arg7 : memref<8192xf32, #tpu.memory_space<vmem>>) target(%dma_start3A_35 : memref<32768xf32, #tpu.memory_space<vmem_shared>>) offsets(%arg8 : memref<8192xi32, #tpu.memory_space<vmem>>) semaphore(%arg11 : memref<!tpu.dma_semaphore, #tpu.memory_space<semaphore_mem>>) {add = true}
        %scan3A_36 = arith.constant 0 : i32
        %scan3A_37 = arith.constant 0 : i32
        %scan3A_38 = arith.constant 64 : i32
        %scan3A_39 = arith.addi %scan3A_37, %scan3A_38 : i32
        %scan3A_40 = arith.constant 1 : i32
        %scan3A_41 = scf.for %scan3A_53 = %scan3A_37 to %scan3A_39 step %scan3A_40 iter_args(%scan3A_54 = %scan3A_36) -> (i32)  : i32 {
          %mul3A_55 = arith.constant 128 : i32
          %mul3A_56 = arith.muli %scan3A_53, %mul3A_55 : i32
          %add3A = arith.constant 8192 : i32
          %add3A_57 = arith.addi %add3A, %mul3A_56 : i32
          %add3A_58 = arith.constant 0 : i32
          %add3A_59 = arith.addi %add3A_57, %add3A_58 : i32
          %get3A = arith.index_cast %add3A_59 : i32 to index
          %get3A_60 = tpu.vector_load %arg5[%get3A] {strides = array<i32>} : memref<16384xf32, #tpu.memory_space<vmem>>, vector<16xf32>,
          %get3A_61 = arith.index_cast %add3A_59 : i32 to index
          %get3A_62 = tpu.vector_load %arg6[%get3A_61] {strides = array<i32>} : memref<16384xi32, #tpu.memory_space<vmem>>, vector<16xi32>,
          %eq3A_63 = vector.broadcast %scan3A_21 : i32 to vector<16xi32>
          %eq3A_64 = arith.cmpi eq, %get3A_62, %eq3A_63 : vector<16xi32>
          %exp3A = math.exp %get3A_60 : vector<16xf32>
          %jit3A = arith.constant 1.000000e+00 : f32
          %jit3A_65 = arith.constant 0.000000e+00 : f32
          %broadcast_in_dim3A = vector.broadcast %jit3A : f32 to vector<16xf32>
          %broadcast_in_dim3A_66 = vector.broadcast %jit3A_65 : f32 to vector<16xf32>
          %select_n3A = arith.select %eq3A_64, %broadcast_in_dim3A, %broadcast_in_dim3A_66 : vector<16xi1>, vector<16xf32>
          %sub3A = arith.subf %select_n3A, %exp3A : vector<16xf32>
          %abs3A = math.absf %sub3A : vector<16xf32>
          %bitcast3A = vector.bitcast %abs3A : vector<16xf32> to vector<16xi32>
          %shift_right_logical3A = arith.constant 17 : i32
          %shift_right_logical3A_67 = vector.broadcast %shift_right_logical3A : i32 to vector<16xi32>
          %shift_right_logical3A_68 = arith.shrui %bitcast3A, %shift_right_logical3A_67 : vector<16xi32>
          %and3A = arith.constant 127 : i32
          %and3A_69 = vector.broadcast %and3A : i32 to vector<16xi32>
          %and3A_70 = arith.andi %shift_right_logical3A_68, %and3A_69 : vector<16xi32>
          %shift_left3A = arith.constant 7 : i32
          %shift_left3A_71 = vector.broadcast %shift_left3A : i32 to vector<16xi32>
          %shift_left3A_72 = arith.shli %and3A_70, %shift_left3A_71 : vector<16xi32>
          %shift_right_logical3A_73 = arith.constant 7 : i32
          %shift_right_logical3A_74 = vector.broadcast %shift_right_logical3A_73 : i32 to vector<16xi32>
          %shift_right_logical3A_75 = arith.shrui %shift_right_logical3A_68, %shift_right_logical3A_74 : vector<16xi32>
          %or3A = arith.ori %shift_left3A_72, %shift_right_logical3A_75 : vector<16xi32>
          %add3A_76 = arith.constant 16384 : i32
          %add3A_77 = vector.broadcast %add3A_76 : i32 to vector<16xi32>
          %add3A_78 = arith.addi %or3A, %add3A_77 : vector<16xi32>
          %select_n3A_79 = arith.select %eq3A_64, %add3A_78, %or3A : vector<16xi1>, vector<16xi32>
          %mul3A_80 = arith.constant 128 : i32
          %mul3A_81 = arith.muli %scan3A_53, %mul3A_80 : i32
          %add3A_82 = arith.constant 0 : i32
          %add3A_83 = arith.addi %mul3A_81, %add3A_82 : i32
          %swap3A = arith.index_cast %add3A_83 : i32 to index
          %swap3A_84 = tpu.vector_load %arg9[%swap3A] {strides = array<i32>} : memref<8192xi32, #tpu.memory_space<vmem>>, vector<16xi32>,
          tpu.vector_store %arg9[%swap3A], %select_n3A_79 {strides = array<i32>} : memref<8192xi32, #tpu.memory_space<vmem>>, vector<16xi32>,
          %mul3A_85 = arith.constant 128 : i32
          %mul3A_86 = arith.muli %scan3A_53, %mul3A_85 : i32
          %add3A_87 = arith.constant 8192 : i32
          %add3A_88 = arith.addi %add3A_87, %mul3A_86 : i32
          %add3A_89 = arith.constant 16 : i32
          %add3A_90 = arith.addi %add3A_88, %add3A_89 : i32
          %get3A_91 = arith.index_cast %add3A_90 : i32 to index
          %get3A_92 = tpu.vector_load %arg5[%get3A_91] {strides = array<i32>} : memref<16384xf32, #tpu.memory_space<vmem>>, vector<16xf32>,
          %get3A_93 = arith.index_cast %add3A_90 : i32 to index
          %get3A_94 = tpu.vector_load %arg6[%get3A_93] {strides = array<i32>} : memref<16384xi32, #tpu.memory_space<vmem>>, vector<16xi32>,
          %eq3A_95 = vector.broadcast %scan3A_21 : i32 to vector<16xi32>
          %eq3A_96 = arith.cmpi eq, %get3A_94, %eq3A_95 : vector<16xi32>
          %exp3A_97 = math.exp %get3A_92 : vector<16xf32>
          %jit3A_98 = arith.constant 1.000000e+00 : f32
          %jit3A_99 = arith.constant 0.000000e+00 : f32
          %broadcast_in_dim3A_100 = vector.broadcast %jit3A_98 : f32 to vector<16xf32>
          %broadcast_in_dim3A_101 = vector.broadcast %jit3A_99 : f32 to vector<16xf32>
          %select_n3A_102 = arith.select %eq3A_96, %broadcast_in_dim3A_100, %broadcast_in_dim3A_101 : vector<16xi1>, vector<16xf32>
          %sub3A_103 = arith.subf %select_n3A_102, %exp3A_97 : vector<16xf32>
          %abs3A_104 = math.absf %sub3A_103 : vector<16xf32>
          %bitcast3A_105 = vector.bitcast %abs3A_104 : vector<16xf32> to vector<16xi32>
          %shift_right_logical3A_106 = arith.constant 17 : i32
          %shift_right_logical3A_107 = vector.broadcast %shift_right_logical3A_106 : i32 to vector<16xi32>
          %shift_right_logical3A_108 = arith.shrui %bitcast3A_105, %shift_right_logical3A_107 : vector<16xi32>
          %and3A_109 = arith.constant 127 : i32
          %and3A_110 = vector.broadcast %and3A_109 : i32 to vector<16xi32>
          %and3A_111 = arith.andi %shift_right_logical3A_108, %and3A_110 : vector<16xi32>
          %shift_left3A_112 = arith.constant 7 : i32
          %shift_left3A_113 = vector.broadcast %shift_left3A_112 : i32 to vector<16xi32>
          %shift_left3A_114 = arith.shli %and3A_111, %shift_left3A_113 : vector<16xi32>
          %shift_right_logical3A_115 = arith.constant 7 : i32
          %shift_right_logical3A_116 = vector.broadcast %shift_right_logical3A_115 : i32 to vector<16xi32>
          %shift_right_logical3A_117 = arith.shrui %shift_right_logical3A_108, %shift_right_logical3A_116 : vector<16xi32>
          %or3A_118 = arith.ori %shift_left3A_114, %shift_right_logical3A_117 : vector<16xi32>
          %add3A_119 = arith.constant 16384 : i32
          %add3A_120 = vector.broadcast %add3A_119 : i32 to vector<16xi32>
          %add3A_121 = arith.addi %or3A_118, %add3A_120 : vector<16xi32>
          %select_n3A_122 = arith.select %eq3A_96, %add3A_121, %or3A_118 : vector<16xi1>, vector<16xi32>
          %mul3A_123 = arith.constant 128 : i32
          %mul3A_124 = arith.muli %scan3A_53, %mul3A_123 : i32
          %add3A_125 = arith.constant 16 : i32
          %add3A_126 = arith.addi %mul3A_124, %add3A_125 : i32
          %swap3A_127 = arith.index_cast %add3A_126 : i32 to index
          %swap3A_128 = tpu.vector_load %arg9[%swap3A_127] {strides = array<i32>} : memref<8192xi32, #tpu.memory_space<vmem>>, vector<16xi32>,
          tpu.vector_store %arg9[%swap3A_127], %select_n3A_122 {strides = array<i32>} : memref<8192xi32, #tpu.memory_space<vmem>>, vector<16xi32>,
          %mul3A_129 = arith.constant 128 : i32
          %mul3A_130 = arith.muli %scan3A_53, %mul3A_129 : i32
          %add3A_131 = arith.constant 8192 : i32
          %add3A_132 = arith.addi %add3A_131, %mul3A_130 : i32
          %add3A_133 = arith.constant 32 : i32
          %add3A_134 = arith.addi %add3A_132, %add3A_133 : i32
          %get3A_135 = arith.index_cast %add3A_134 : i32 to index
          %get3A_136 = tpu.vector_load %arg5[%get3A_135] {strides = array<i32>} : memref<16384xf32, #tpu.memory_space<vmem>>, vector<16xf32>,
          %get3A_137 = arith.index_cast %add3A_134 : i32 to index
          %get3A_138 = tpu.vector_load %arg6[%get3A_137] {strides = array<i32>} : memref<16384xi32, #tpu.memory_space<vmem>>, vector<16xi32>,
          %eq3A_139 = vector.broadcast %scan3A_21 : i32 to vector<16xi32>
          %eq3A_140 = arith.cmpi eq, %get3A_138, %eq3A_139 : vector<16xi32>
          %exp3A_141 = math.exp %get3A_136 : vector<16xf32>
          %jit3A_142 = arith.constant 1.000000e+00 : f32
          %jit3A_143 = arith.constant 0.000000e+00 : f32
          %broadcast_in_dim3A_144 = vector.broadcast %jit3A_142 : f32 to vector<16xf32>
          %broadcast_in_dim3A_145 = vector.broadcast %jit3A_143 : f32 to vector<16xf32>
          %select_n3A_146 = arith.select %eq3A_140, %broadcast_in_dim3A_144, %broadcast_in_dim3A_145 : vector<16xi1>, vector<16xf32>
          %sub3A_147 = arith.subf %select_n3A_146, %exp3A_141 : vector<16xf32>
          %abs3A_148 = math.absf %sub3A_147 : vector<16xf32>
          %bitcast3A_149 = vector.bitcast %abs3A_148 : vector<16xf32> to vector<16xi32>
          %shift_right_logical3A_150 = arith.constant 17 : i32
          %shift_right_logical3A_151 = vector.broadcast %shift_right_logical3A_150 : i32 to vector<16xi32>
          %shift_right_logical3A_152 = arith.shrui %bitcast3A_149, %shift_right_logical3A_151 : vector<16xi32>
          %and3A_153 = arith.constant 127 : i32
          %and3A_154 = vector.broadcast %and3A_153 : i32 to vector<16xi32>
          %and3A_155 = arith.andi %shift_right_logical3A_152, %and3A_154 : vector<16xi32>
          %shift_left3A_156 = arith.constant 7 : i32
          %shift_left3A_157 = vector.broadcast %shift_left3A_156 : i32 to vector<16xi32>
          %shift_left3A_158 = arith.shli %and3A_155, %shift_left3A_157 : vector<16xi32>
          %shift_right_logical3A_159 = arith.constant 7 : i32
          %shift_right_logical3A_160 = vector.broadcast %shift_right_logical3A_159 : i32 to vector<16xi32>
          %shift_right_logical3A_161 = arith.shrui %shift_right_logical3A_152, %shift_right_logical3A_160 : vector<16xi32>
          %or3A_162 = arith.ori %shift_left3A_158, %shift_right_logical3A_161 : vector<16xi32>
          %add3A_163 = arith.constant 16384 : i32
          %add3A_164 = vector.broadcast %add3A_163 : i32 to vector<16xi32>
          %add3A_165 = arith.addi %or3A_162, %add3A_164 : vector<16xi32>
          %select_n3A_166 = arith.select %eq3A_140, %add3A_165, %or3A_162 : vector<16xi1>, vector<16xi32>
          %mul3A_167 = arith.constant 128 : i32
          %mul3A_168 = arith.muli %scan3A_53, %mul3A_167 : i32
          %add3A_169 = arith.constant 32 : i32
          %add3A_170 = arith.addi %mul3A_168, %add3A_169 : i32
          %swap3A_171 = arith.index_cast %add3A_170 : i32 to index
          %swap3A_172 = tpu.vector_load %arg9[%swap3A_171] {strides = array<i32>} : memref<8192xi32, #tpu.memory_space<vmem>>, vector<16xi32>,
          tpu.vector_store %arg9[%swap3A_171], %select_n3A_166 {strides = array<i32>} : memref<8192xi32, #tpu.memory_space<vmem>>, vector<16xi32>,
          %mul3A_173 = arith.constant 128 : i32
          %mul3A_174 = arith.muli %scan3A_53, %mul3A_173 : i32
          %add3A_175 = arith.constant 8192 : i32
          %add3A_176 = arith.addi %add3A_175, %mul3A_174 : i32
          %add3A_177 = arith.constant 48 : i32
          %add3A_178 = arith.addi %add3A_176, %add3A_177 : i32
          %get3A_179 = arith.index_cast %add3A_178 : i32 to index
          %get3A_180 = tpu.vector_load %arg5[%get3A_179] {strides = array<i32>} : memref<16384xf32, #tpu.memory_space<vmem>>, vector<16xf32>,
          %get3A_181 = arith.index_cast %add3A_178 : i32 to index
          %get3A_182 = tpu.vector_load %arg6[%get3A_181] {strides = array<i32>} : memref<16384xi32, #tpu.memory_space<vmem>>, vector<16xi32>,
          %eq3A_183 = vector.broadcast %scan3A_21 : i32 to vector<16xi32>
          %eq3A_184 = arith.cmpi eq, %get3A_182, %eq3A_183 : vector<16xi32>
          %exp3A_185 = math.exp %get3A_180 : vector<16xf32>
          %jit3A_186 = arith.constant 1.000000e+00 : f32
          %jit3A_187 = arith.constant 0.000000e+00 : f32
          %broadcast_in_dim3A_188 = vector.broadcast %jit3A_186 : f32 to vector<16xf32>
          %broadcast_in_dim3A_189 = vector.broadcast %jit3A_187 : f32 to vector<16xf32>
          %select_n3A_190 = arith.select %eq3A_184, %broadcast_in_dim3A_188, %broadcast_in_dim3A_189 : vector<16xi1>, vector<16xf32>
          %sub3A_191 = arith.subf %select_n3A_190, %exp3A_185 : vector<16xf32>
          %abs3A_192 = math.absf %sub3A_191 : vector<16xf32>
          %bitcast3A_193 = vector.bitcast %abs3A_192 : vector<16xf32> to vector<16xi32>
          %shift_right_logical3A_194 = arith.constant 17 : i32
          %shift_right_logical3A_195 = vector.broadcast %shift_right_logical3A_194 : i32 to vector<16xi32>
          %shift_right_logical3A_196 = arith.shrui %bitcast3A_193, %shift_right_logical3A_195 : vector<16xi32>
          %and3A_197 = arith.constant 127 : i32
          %and3A_198 = vector.broadcast %and3A_197 : i32 to vector<16xi32>
          %and3A_199 = arith.andi %shift_right_logical3A_196, %and3A_198 : vector<16xi32>
          %shift_left3A_200 = arith.constant 7 : i32
          %shift_left3A_201 = vector.broadcast %shift_left3A_200 : i32 to vector<16xi32>
          %shift_left3A_202 = arith.shli %and3A_199, %shift_left3A_201 : vector<16xi32>
          %shift_right_logical3A_203 = arith.constant 7 : i32
          %shift_right_logical3A_204 = vector.broadcast %shift_right_logical3A_203 : i32 to vector<16xi32>
          %shift_right_logical3A_205 = arith.shrui %shift_right_logical3A_196, %shift_right_logical3A_204 : vector<16xi32>
          %or3A_206 = arith.ori %shift_left3A_202, %shift_right_logical3A_205 : vector<16xi32>
          %add3A_207 = arith.constant 16384 : i32
          %add3A_208 = vector.broadcast %add3A_207 : i32 to vector<16xi32>
          %add3A_209 = arith.addi %or3A_206, %add3A_208 : vector<16xi32>
          %select_n3A_210 = arith.select %eq3A_184, %add3A_209, %or3A_206 : vector<16xi1>, vector<16xi32>
          %mul3A_211 = arith.constant 128 : i32
          %mul3A_212 = arith.muli %scan3A_53, %mul3A_211 : i32
          %add3A_213 = arith.constant 48 : i32
          %add3A_214 = arith.addi %mul3A_212, %add3A_213 : i32
          %swap3A_215 = arith.index_cast %add3A_214 : i32 to index
          %swap3A_216 = tpu.vector_load %arg9[%swap3A_215] {strides = array<i32>} : memref<8192xi32, #tpu.memory_space<vmem>>, vector<16xi32>,
          tpu.vector_store %arg9[%swap3A_215], %select_n3A_210 {strides = array<i32>} : memref<8192xi32, #tpu.memory_space<vmem>>, vector<16xi32>,
          %mul3A_217 = arith.constant 128 : i32
          %mul3A_218 = arith.muli %scan3A_53, %mul3A_217 : i32
          %add3A_219 = arith.constant 8192 : i32
          %add3A_220 = arith.addi %add3A_219, %mul3A_218 : i32
          %add3A_221 = arith.constant 64 : i32
          %add3A_222 = arith.addi %add3A_220, %add3A_221 : i32
          %get3A_223 = arith.index_cast %add3A_222 : i32 to index
          %get3A_224 = tpu.vector_load %arg5[%get3A_223] {strides = array<i32>} : memref<16384xf32, #tpu.memory_space<vmem>>, vector<16xf32>,
          %get3A_225 = arith.index_cast %add3A_222 : i32 to index
          %get3A_226 = tpu.vector_load %arg6[%get3A_225] {strides = array<i32>} : memref<16384xi32, #tpu.memory_space<vmem>>, vector<16xi32>,
          %eq3A_227 = vector.broadcast %scan3A_21 : i32 to vector<16xi32>
          %eq3A_228 = arith.cmpi eq, %get3A_226, %eq3A_227 : vector<16xi32>
          %exp3A_229 = math.exp %get3A_224 : vector<16xf32>
          %jit3A_230 = arith.constant 1.000000e+00 : f32
          %jit3A_231 = arith.constant 0.000000e+00 : f32
          %broadcast_in_dim3A_232 = vector.broadcast %jit3A_230 : f32 to vector<16xf32>
          %broadcast_in_dim3A_233 = vector.broadcast %jit3A_231 : f32 to vector<16xf32>
          %select_n3A_234 = arith.select %eq3A_228, %broadcast_in_dim3A_232, %broadcast_in_dim3A_233 : vector<16xi1>, vector<16xf32>
          %sub3A_235 = arith.subf %select_n3A_234, %exp3A_229 : vector<16xf32>
          %abs3A_236 = math.absf %sub3A_235 : vector<16xf32>
          %bitcast3A_237 = vector.bitcast %abs3A_236 : vector<16xf32> to vector<16xi32>
          %shift_right_logical3A_238 = arith.constant 17 : i32
          %shift_right_logical3A_239 = vector.broadcast %shift_right_logical3A_238 : i32 to vector<16xi32>
          %shift_right_logical3A_240 = arith.shrui %bitcast3A_237, %shift_right_logical3A_239 : vector<16xi32>
          %and3A_241 = arith.constant 127 : i32
          %and3A_242 = vector.broadcast %and3A_241 : i32 to vector<16xi32>
          %and3A_243 = arith.andi %shift_right_logical3A_240, %and3A_242 : vector<16xi32>
          %shift_left3A_244 = arith.constant 7 : i32
          %shift_left3A_245 = vector.broadcast %shift_left3A_244 : i32 to vector<16xi32>
          %shift_left3A_246 = arith.shli %and3A_243, %shift_left3A_245 : vector<16xi32>
          %shift_right_logical3A_247 = arith.constant 7 : i32
          %shift_right_logical3A_248 = vector.broadcast %shift_right_logical3A_247 : i32 to vector<16xi32>
          %shift_right_logical3A_249 = arith.shrui %shift_right_logical3A_240, %shift_right_logical3A_248 : vector<16xi32>
          %or3A_250 = arith.ori %shift_left3A_246, %shift_right_logical3A_249 : vector<16xi32>
          %add3A_251 = arith.constant 16384 : i32
          %add3A_252 = vector.broadcast %add3A_251 : i32 to vector<16xi32>
          %add3A_253 = arith.addi %or3A_250, %add3A_252 : vector<16xi32>
          %select_n3A_254 = arith.select %eq3A_228, %add3A_253, %or3A_250 : vector<16xi1>, vector<16xi32>
          %mul3A_255 = arith.constant 128 : i32
          %mul3A_256 = arith.muli %scan3A_53, %mul3A_255 : i32
          %add3A_257 = arith.constant 64 : i32
          %add3A_258 = arith.addi %mul3A_256, %add3A_257 : i32
          %swap3A_259 = arith.index_cast %add3A_258 : i32 to index
          %swap3A_260 = tpu.vector_load %arg9[%swap3A_259] {strides = array<i32>} : memref<8192xi32, #tpu.memory_space<vmem>>, vector<16xi32>,
          tpu.vector_store %arg9[%swap3A_259], %select_n3A_254 {strides = array<i32>} : memref<8192xi32, #tpu.memory_space<vmem>>, vector<16xi32>,
          %mul3A_261 = arith.constant 128 : i32
          %mul3A_262 = arith.muli %scan3A_53, %mul3A_261 : i32
          %add3A_263 = arith.constant 8192 : i32
          %add3A_264 = arith.addi %add3A_263, %mul3A_262 : i32
          %add3A_265 = arith.constant 80 : i32
          %add3A_266 = arith.addi %add3A_264, %add3A_265 : i32
          %get3A_267 = arith.index_cast %add3A_266 : i32 to index
          %get3A_268 = tpu.vector_load %arg5[%get3A_267] {strides = array<i32>} : memref<16384xf32, #tpu.memory_space<vmem>>, vector<16xf32>,
          %get3A_269 = arith.index_cast %add3A_266 : i32 to index
          %get3A_270 = tpu.vector_load %arg6[%get3A_269] {strides = array<i32>} : memref<16384xi32, #tpu.memory_space<vmem>>, vector<16xi32>,
          %eq3A_271 = vector.broadcast %scan3A_21 : i32 to vector<16xi32>
          %eq3A_272 = arith.cmpi eq, %get3A_270, %eq3A_271 : vector<16xi32>
          %exp3A_273 = math.exp %get3A_268 : vector<16xf32>
          %jit3A_274 = arith.constant 1.000000e+00 : f32
          %jit3A_275 = arith.constant 0.000000e+00 : f32
          %broadcast_in_dim3A_276 = vector.broadcast %jit3A_274 : f32 to vector<16xf32>
          %broadcast_in_dim3A_277 = vector.broadcast %jit3A_275 : f32 to vector<16xf32>
          %select_n3A_278 = arith.select %eq3A_272, %broadcast_in_dim3A_276, %broadcast_in_dim3A_277 : vector<16xi1>, vector<16xf32>
          %sub3A_279 = arith.subf %select_n3A_278, %exp3A_273 : vector<16xf32>
          %abs3A_280 = math.absf %sub3A_279 : vector<16xf32>
          %bitcast3A_281 = vector.bitcast %abs3A_280 : vector<16xf32> to vector<16xi32>
          %shift_right_logical3A_282 = arith.constant 17 : i32
          %shift_right_logical3A_283 = vector.broadcast %shift_right_logical3A_282 : i32 to vector<16xi32>
          %shift_right_logical3A_284 = arith.shrui %bitcast3A_281, %shift_right_logical3A_283 : vector<16xi32>
          %and3A_285 = arith.constant 127 : i32
          %and3A_286 = vector.broadcast %and3A_285 : i32 to vector<16xi32>
          %and3A_287 = arith.andi %shift_right_logical3A_284, %and3A_286 : vector<16xi32>
          %shift_left3A_288 = arith.constant 7 : i32
          %shift_left3A_289 = vector.broadcast %shift_left3A_288 : i32 to vector<16xi32>
          %shift_left3A_290 = arith.shli %and3A_287, %shift_left3A_289 : vector<16xi32>
          %shift_right_logical3A_291 = arith.constant 7 : i32
          %shift_right_logical3A_292 = vector.broadcast %shift_right_logical3A_291 : i32 to vector<16xi32>
          %shift_right_logical3A_293 = arith.shrui %shift_right_logical3A_284, %shift_right_logical3A_292 : vector<16xi32>
          %or3A_294 = arith.ori %shift_left3A_290, %shift_right_logical3A_293 : vector<16xi32>
          %add3A_295 = arith.constant 16384 : i32
          %add3A_296 = vector.broadcast %add3A_295 : i32 to vector<16xi32>
          %add3A_297 = arith.addi %or3A_294, %add3A_296 : vector<16xi32>
          %select_n3A_298 = arith.select %eq3A_272, %add3A_297, %or3A_294 : vector<16xi1>, vector<16xi32>
          %mul3A_299 = arith.constant 128 : i32
          %mul3A_300 = arith.muli %scan3A_53, %mul3A_299 : i32
          %add3A_301 = arith.constant 80 : i32
          %add3A_302 = arith.addi %mul3A_300, %add3A_301 : i32
          %swap3A_303 = arith.index_cast %add3A_302 : i32 to index
          %swap3A_304 = tpu.vector_load %arg9[%swap3A_303] {strides = array<i32>} : memref<8192xi32, #tpu.memory_space<vmem>>, vector<16xi32>,
          tpu.vector_store %arg9[%swap3A_303], %select_n3A_298 {strides = array<i32>} : memref<8192xi32, #tpu.memory_space<vmem>>, vector<16xi32>,
          %mul3A_305 = arith.constant 128 : i32
          %mul3A_306 = arith.muli %scan3A_53, %mul3A_305 : i32
          %add3A_307 = arith.constant 8192 : i32
          %add3A_308 = arith.addi %add3A_307, %mul3A_306 : i32
          %add3A_309 = arith.constant 96 : i32
          %add3A_310 = arith.addi %add3A_308, %add3A_309 : i32
          %get3A_311 = arith.index_cast %add3A_310 : i32 to index
          %get3A_312 = tpu.vector_load %arg5[%get3A_311] {strides = array<i32>} : memref<16384xf32, #tpu.memory_space<vmem>>, vector<16xf32>,
          %get3A_313 = arith.index_cast %add3A_310 : i32 to index
          %get3A_314 = tpu.vector_load %arg6[%get3A_313] {strides = array<i32>} : memref<16384xi32, #tpu.memory_space<vmem>>, vector<16xi32>,
          %eq3A_315 = vector.broadcast %scan3A_21 : i32 to vector<16xi32>
          %eq3A_316 = arith.cmpi eq, %get3A_314, %eq3A_315 : vector<16xi32>
          %exp3A_317 = math.exp %get3A_312 : vector<16xf32>
          %jit3A_318 = arith.constant 1.000000e+00 : f32
          %jit3A_319 = arith.constant 0.000000e+00 : f32
          %broadcast_in_dim3A_320 = vector.broadcast %jit3A_318 : f32 to vector<16xf32>
          %broadcast_in_dim3A_321 = vector.broadcast %jit3A_319 : f32 to vector<16xf32>
          %select_n3A_322 = arith.select %eq3A_316, %broadcast_in_dim3A_320, %broadcast_in_dim3A_321 : vector<16xi1>, vector<16xf32>
          %sub3A_323 = arith.subf %select_n3A_322, %exp3A_317 : vector<16xf32>
          %abs3A_324 = math.absf %sub3A_323 : vector<16xf32>
          %bitcast3A_325 = vector.bitcast %abs3A_324 : vector<16xf32> to vector<16xi32>
          %shift_right_logical3A_326 = arith.constant 17 : i32
          %shift_right_logical3A_327 = vector.broadcast %shift_right_logical3A_326 : i32 to vector<16xi32>
          %shift_right_logical3A_328 = arith.shrui %bitcast3A_325, %shift_right_logical3A_327 : vector<16xi32>
          %and3A_329 = arith.constant 127 : i32
          %and3A_330 = vector.broadcast %and3A_329 : i32 to vector<16xi32>
          %and3A_331 = arith.andi %shift_right_logical3A_328, %and3A_330 : vector<16xi32>
          %shift_left3A_332 = arith.constant 7 : i32
          %shift_left3A_333 = vector.broadcast %shift_left3A_332 : i32 to vector<16xi32>
          %shift_left3A_334 = arith.shli %and3A_331, %shift_left3A_333 : vector<16xi32>
          %shift_right_logical3A_335 = arith.constant 7 : i32
          %shift_right_logical3A_336 = vector.broadcast %shift_right_logical3A_335 : i32 to vector<16xi32>
          %shift_right_logical3A_337 = arith.shrui %shift_right_logical3A_328, %shift_right_logical3A_336 : vector<16xi32>
          %or3A_338 = arith.ori %shift_left3A_334, %shift_right_logical3A_337 : vector<16xi32>
          %add3A_339 = arith.constant 16384 : i32
          %add3A_340 = vector.broadcast %add3A_339 : i32 to vector<16xi32>
          %add3A_341 = arith.addi %or3A_338, %add3A_340 : vector<16xi32>
          %select_n3A_342 = arith.select %eq3A_316, %add3A_341, %or3A_338 : vector<16xi1>, vector<16xi32>
          %mul3A_343 = arith.constant 128 : i32
          %mul3A_344 = arith.muli %scan3A_53, %mul3A_343 : i32
          %add3A_345 = arith.constant 96 : i32
          %add3A_346 = arith.addi %mul3A_344, %add3A_345 : i32
          %swap3A_347 = arith.index_cast %add3A_346 : i32 to index
          %swap3A_348 = tpu.vector_load %arg9[%swap3A_347] {strides = array<i32>} : memref<8192xi32, #tpu.memory_space<vmem>>, vector<16xi32>,
          tpu.vector_store %arg9[%swap3A_347], %select_n3A_342 {strides = array<i32>} : memref<8192xi32, #tpu.memory_space<vmem>>, vector<16xi32>,
          %mul3A_349 = arith.constant 128 : i32
          %mul3A_350 = arith.muli %scan3A_53, %mul3A_349 : i32
          %add3A_351 = arith.constant 8192 : i32
          %add3A_352 = arith.addi %add3A_351, %mul3A_350 : i32
          %add3A_353 = arith.constant 112 : i32
          %add3A_354 = arith.addi %add3A_352, %add3A_353 : i32
          %get3A_355 = arith.index_cast %add3A_354 : i32 to index
          %get3A_356 = tpu.vector_load %arg5[%get3A_355] {strides = array<i32>} : memref<16384xf32, #tpu.memory_space<vmem>>, vector<16xf32>,
          %get3A_357 = arith.index_cast %add3A_354 : i32 to index
          %get3A_358 = tpu.vector_load %arg6[%get3A_357] {strides = array<i32>} : memref<16384xi32, #tpu.memory_space<vmem>>, vector<16xi32>,
          %eq3A_359 = vector.broadcast %scan3A_21 : i32 to vector<16xi32>
          %eq3A_360 = arith.cmpi eq, %get3A_358, %eq3A_359 : vector<16xi32>
          %exp3A_361 = math.exp %get3A_356 : vector<16xf32>
          %jit3A_362 = arith.constant 1.000000e+00 : f32
          %jit3A_363 = arith.constant 0.000000e+00 : f32
          %broadcast_in_dim3A_364 = vector.broadcast %jit3A_362 : f32 to vector<16xf32>
          %broadcast_in_dim3A_365 = vector.broadcast %jit3A_363 : f32 to vector<16xf32>
          %select_n3A_366 = arith.select %eq3A_360, %broadcast_in_dim3A_364, %broadcast_in_dim3A_365 : vector<16xi1>, vector<16xf32>
          %sub3A_367 = arith.subf %select_n3A_366, %exp3A_361 : vector<16xf32>
          %abs3A_368 = math.absf %sub3A_367 : vector<16xf32>
          %bitcast3A_369 = vector.bitcast %abs3A_368 : vector<16xf32> to vector<16xi32>
          %shift_right_logical3A_370 = arith.constant 17 : i32
          %shift_right_logical3A_371 = vector.broadcast %shift_right_logical3A_370 : i32 to vector<16xi32>
          %shift_right_logical3A_372 = arith.shrui %bitcast3A_369, %shift_right_logical3A_371 : vector<16xi32>
          %and3A_373 = arith.constant 127 : i32
          %and3A_374 = vector.broadcast %and3A_373 : i32 to vector<16xi32>
          %and3A_375 = arith.andi %shift_right_logical3A_372, %and3A_374 : vector<16xi32>
          %shift_left3A_376 = arith.constant 7 : i32
          %shift_left3A_377 = vector.broadcast %shift_left3A_376 : i32 to vector<16xi32>
          %shift_left3A_378 = arith.shli %and3A_375, %shift_left3A_377 : vector<16xi32>
          %shift_right_logical3A_379 = arith.constant 7 : i32
          %shift_right_logical3A_380 = vector.broadcast %shift_right_logical3A_379 : i32 to vector<16xi32>
          %shift_right_logical3A_381 = arith.shrui %shift_right_logical3A_372, %shift_right_logical3A_380 : vector<16xi32>
          %or3A_382 = arith.ori %shift_left3A_378, %shift_right_logical3A_381 : vector<16xi32>
          %add3A_383 = arith.constant 16384 : i32
          %add3A_384 = vector.broadcast %add3A_383 : i32 to vector<16xi32>
          %add3A_385 = arith.addi %or3A_382, %add3A_384 : vector<16xi32>
          %select_n3A_386 = arith.select %eq3A_360, %add3A_385, %or3A_382 : vector<16xi1>, vector<16xi32>
          %mul3A_387 = arith.constant 128 : i32
          %mul3A_388 = arith.muli %scan3A_53, %mul3A_387 : i32
          %add3A_389 = arith.constant 112 : i32
          %add3A_390 = arith.addi %mul3A_388, %add3A_389 : i32
          %swap3A_391 = arith.index_cast %add3A_390 : i32 to index
          %swap3A_392 = tpu.vector_load %arg9[%swap3A_391] {strides = array<i32>} : memref<8192xi32, #tpu.memory_space<vmem>>, vector<16xi32>,
          tpu.vector_store %arg9[%swap3A_391], %select_n3A_386 {strides = array<i32>} : memref<8192xi32, #tpu.memory_space<vmem>>, vector<16xi32>,
          %scan3A_393 = arith.constant 0 : i32
          scf.yield %scan3A_393 : i32
        }
        %scan3A_42 = arith.constant 64 : i32
        %dma_start3A_43 = arith.constant 0 : i32
        %dma_start3A_44 = tpu.memref_slice %arg13[%dma_start3A_43] : memref<32768xf32, #tpu.memory_space<vmem_shared>> -> memref<32768xf32, #tpu.memory_space<vmem_shared>>
        tpu.enqueue_indirect_dma source(%arg7 : memref<8192xf32, #tpu.memory_space<vmem>>) target(%dma_start3A_44 : memref<32768xf32, #tpu.memory_space<vmem_shared>>) offsets(%arg9 : memref<8192xi32, #tpu.memory_space<vmem>>) semaphore(%arg12 : memref<!tpu.dma_semaphore, #tpu.memory_space<semaphore_mem>>) {add = true}
        %dma_wait3A = arith.constant 0 : i32
        %dma_wait3A_45 = tpu.memref_slice %arg13[%dma_wait3A] : memref<32768xf32, #tpu.memory_space<vmem_shared>> -> memref<32768xf32, #tpu.memory_space<vmem_shared>>
        tpu.wait_indirect_dma semaphore(%arg11 : memref<!tpu.dma_semaphore, #tpu.memory_space<semaphore_mem>>) src(%arg7 : memref<8192xf32, #tpu.memory_space<vmem>>) dst(%dma_wait3A_45 : memref<32768xf32, #tpu.memory_space<vmem_shared>>)
        %dma_wait3A_46 = arith.constant 0 : i32
        %dma_wait3A_47 = tpu.memref_slice %arg13[%dma_wait3A_46] : memref<32768xf32, #tpu.memory_space<vmem_shared>> -> memref<32768xf32, #tpu.memory_space<vmem_shared>>
        tpu.wait_indirect_dma semaphore(%arg12 : memref<!tpu.dma_semaphore, #tpu.memory_space<semaphore_mem>>) src(%arg7 : memref<8192xf32, #tpu.memory_space<vmem>>) dst(%dma_wait3A_47 : memref<32768xf32, #tpu.memory_space<vmem_shared>>)
        %barrier3A_48 = arith.constant 0 : index
        tpu.barrier barrier_id(%barrier3A_48)
        %mul3A_49 = arith.constant 2048 : i32
        %mul3A_50 = arith.muli %arg1, %mul3A_49 : i32
        %mul3A_51 = arith.constant 2048 : i32
        %mul3A_52 = arith.muli %arg1, %mul3A_51 : i32
        "tpu.region"() ({
          %run_scoped3A = tpu.sem_alloc : memref<!tpu.dma_semaphore, #tpu.memory_space<semaphore_mem>>
          %dma_start3A_53 = tpu.memref_slice %arg4[%scan3A_21, %mul3A_52] : memref<19x32768xf32, #tpu.memory_space<hbm>> -> memref<1x2048xf32, #tpu.memory_space<hbm>>
          %dma_start3A_54 = tpu.memref_squeeze %dma_start3A_53 : memref<1x2048xf32, #tpu.memory_space<hbm>> -> memref<2048xf32, #tpu.memory_space<hbm>>
          %dma_start3A_55 = tpu.memref_slice %arg13[%mul3A_50] : memref<32768xf32, #tpu.memory_space<vmem_shared>> -> memref<2048xf32, #tpu.memory_space<vmem_shared>>
          tpu.enqueue_dma source(%dma_start3A_55 : memref<2048xf32, #tpu.memory_space<vmem_shared>>) target(%dma_start3A_54 : memref<2048xf32, #tpu.memory_space<hbm>>) target_semaphore(%run_scoped3A : memref<!tpu.dma_semaphore, #tpu.memory_space<semaphore_mem>>)
          %dma_wait3A_56 = tpu.memref_slice %arg4[%scan3A_21, %mul3A_52] : memref<19x32768xf32, #tpu.memory_space<hbm>> -> memref<1x2048xf32, #tpu.memory_space<hbm>>
          %dma_wait3A_57 = tpu.memref_squeeze %dma_wait3A_56 : memref<1x2048xf32, #tpu.memory_space<hbm>> -> memref<2048xf32, #tpu.memory_space<hbm>>
          %dma_wait3A_58 = tpu.memref_slice %arg13[%mul3A_50] : memref<32768xf32, #tpu.memory_space<vmem_shared>> -> memref<2048xf32, #tpu.memory_space<vmem_shared>>
          tpu.wait_dma2 semaphore(%run_scoped3A : memref<!tpu.dma_semaphore, #tpu.memory_space<semaphore_mem>>) src(%dma_wait3A_58 : memref<2048xf32, #tpu.memory_space<vmem_shared>>) dst(%dma_wait3A_57 : memref<2048xf32, #tpu.memory_space<hbm>>)
          tpu.yield
        }) : () -> ()
      } else {
      }
      %scan3A_25 = arith.constant 0 : i32
      scf.yield %scan3A_25 : i32
    }
    %scan3A_20 = arith.constant 19 : i32
    return
  }
}

module attributes {stable_mosaic.version = 14 : i64} {
  func.func @_tc_bucket_body(%arg0: i32, %arg1: memref<1x2x128x128xf32, #tpu.memory_space<vmem>>, %arg2: memref<1x1xf32, #tpu.memory_space<vmem>>, %arg3: memref<2xf32, #tpu.memory_space<smem>>) attributes {dimension_semantics = [#tpu.dimension_semantics<arbitrary>], iteration_bounds = array<i64: 19>, scalar_prefetch = 0 : i64, scratch_operands = 1 : i64, tpu.core_type = #tpu.core_type<tc>, window_params = [{transform_indices = @transform_0, window_bounds = array<i64: 1, 2, 128, 128>}, {pipeline_mode = #tpu.pipeline_mode<synchronous>, transform_indices = @transform_1, window_bounds = array<i64: 1, 1>}]} {
    %eq3A = arith.constant 0 : i32
    %eq3A_0 = arith.cmpi eq, %arg0, %eq3A : i32
    %convert_element_type3A = arith.extui %eq3A_0 : i1 to i32
    %cond3A = arith.constant 0 : i32
    %cond3A_1 = arith.cmpi ne, %convert_element_type3A, %cond3A : i32
    scf.if %cond3A_1 {
      %swap3A_368 = arith.constant 0.000000e+00 : f32
      %swap3A_369 = arith.constant 0 : index
      %swap3A_370 = memref.load %arg3[%swap3A_369] : memref<2xf32, #tpu.memory_space<smem>>
      memref.store %swap3A_368, %arg3[%swap3A_369] : memref<2xf32, #tpu.memory_space<smem>>
      %swap3A_371 = arith.constant 0.000000e+00 : f32
      %swap3A_372 = arith.constant 1 : index
      %swap3A_373 = memref.load %arg3[%swap3A_372] : memref<2xf32, #tpu.memory_space<smem>>
      memref.store %swap3A_371, %arg3[%swap3A_372] : memref<2xf32, #tpu.memory_space<smem>>
    } else {
    }
    %get3A = arith.constant 0 : index
    %get3A_2 = arith.constant 0 : index
    %get3A_3 = arith.constant 0 : index
    %get3A_4 = arith.constant 0 : index
    %get3A_5 = vector.load %arg1[%get3A, %get3A_2, %get3A_3, %get3A_4] : memref<1x2x128x128xf32, #tpu.memory_space<vmem>>, vector<1x1x128x128xf32>
    %get3A_6 = vector.shape_cast %get3A_5 : vector<1x1x128x128xf32> to vector<128x128xf32>
    %get3A_7 = arith.constant 0 : index
    %get3A_8 = arith.constant 1 : index
    %get3A_9 = arith.constant 0 : index
    %get3A_10 = arith.constant 0 : index
    %get3A_11 = vector.load %arg1[%get3A_7, %get3A_8, %get3A_9, %get3A_10] : memref<1x2x128x128xf32, #tpu.memory_space<vmem>>, vector<1x1x128x128xf32>
    %get3A_12 = vector.shape_cast %get3A_11 : vector<1x1x128x128xf32> to vector<128x128xf32>
    %iota3A = tpu.iota {dimensions = array<i32: 0>} : vector<128x128xi32>
    %iota3A_13 = tpu.iota {dimensions = array<i32: 1>} : vector<128x128xi32>
    %iota3A_14 = tpu.iota {dimensions = array<i32: 1>} : vector<1x128xi32>
    %mul3A = arith.constant 128 : i32
    %mul3A_15 = vector.broadcast %mul3A : i32 to vector<128x128xi32>
    %mul3A_16 = arith.muli %iota3A_13, %mul3A_15 : vector<128x128xi32>
    %add3A = arith.addi %mul3A_16, %iota3A : vector<128x128xi32>
    %shift_left3A = arith.constant 17 : i32
    %shift_left3A_17 = vector.broadcast %shift_left3A : i32 to vector<128x128xi32>
    %shift_left3A_18 = arith.shli %add3A, %shift_left3A_17 : vector<128x128xi32>
    %or3A = arith.constant 65536 : i32
    %or3A_19 = vector.broadcast %or3A : i32 to vector<128x128xi32>
    %or3A_20 = arith.ori %shift_left3A_18, %or3A_19 : vector<128x128xi32>
    %min3A = arith.constant 2130706431 : i32
    %min3A_21 = vector.broadcast %min3A : i32 to vector<128x128xi32>
    %min3A_22 = arith.minsi %or3A_20, %min3A_21 : vector<128x128xi32>
    %bitcast_convert_type3A = tpu.bitcast %min3A_22 : vector<128x128xi32> -> vector<128x128xf32>
    %mul3A_23 = arith.mulf %get3A_12, %bitcast_convert_type3A : vector<128x128xf32>
    %mul3A_24 = arith.mulf %get3A_6, %bitcast_convert_type3A : vector<128x128xf32>
    %ge3A = arith.constant 1 : i32
    %ge3A_25 = vector.broadcast %ge3A : i32 to vector<128x128xi32>
    %ge3A_26 = arith.cmpi sge, %iota3A, %ge3A_25 : vector<128x128xi32>
    %slice3A = vector.extract_strided_slice %get3A_12 {offsets = [127, 0], sizes = [1, 128], strides = [1, 1]} : vector<128x128xf32> to vector<1x128xf32>
    %slice3A_27 = vector.extract_strided_slice %get3A_12 {offsets = [0, 0], sizes = [127, 128], strides = [1, 1]} : vector<128x128xf32> to vector<127x128xf32>
    %concatenate3A = tpu.concatenate %slice3A, %slice3A_27 in 0 : vector<1x128xf32>, vector<127x128xf32> -> vector<128x128xf32>
    %jit3A = arith.constant 0.000000e+00 : f32
    %broadcast_in_dim3A = vector.broadcast %jit3A : f32 to vector<128x128xf32>
    %select_n3A = arith.select %ge3A_26, %concatenate3A, %broadcast_in_dim3A : vector<128x128xi1>, vector<128x128xf32>
    %add3A_28 = arith.addf %get3A_12, %select_n3A : vector<128x128xf32>
    %ge3A_29 = arith.constant 2 : i32
    %ge3A_30 = vector.broadcast %ge3A_29 : i32 to vector<128x128xi32>
    %ge3A_31 = arith.cmpi sge, %iota3A, %ge3A_30 : vector<128x128xi32>
    %slice3A_32 = vector.extract_strided_slice %add3A_28 {offsets = [126, 0], sizes = [2, 128], strides = [1, 1]} : vector<128x128xf32> to vector<2x128xf32>
    %slice3A_33 = vector.extract_strided_slice %add3A_28 {offsets = [0, 0], sizes = [126, 128], strides = [1, 1]} : vector<128x128xf32> to vector<126x128xf32>
    %concatenate3A_34 = tpu.concatenate %slice3A_32, %slice3A_33 in 0 : vector<2x128xf32>, vector<126x128xf32> -> vector<128x128xf32>
    %jit3A_35 = arith.constant 0.000000e+00 : f32
    %broadcast_in_dim3A_36 = vector.broadcast %jit3A_35 : f32 to vector<128x128xf32>
    %select_n3A_37 = arith.select %ge3A_31, %concatenate3A_34, %broadcast_in_dim3A_36 : vector<128x128xi1>, vector<128x128xf32>
    %add3A_38 = arith.addf %add3A_28, %select_n3A_37 : vector<128x128xf32>
    %ge3A_39 = arith.constant 4 : i32
    %ge3A_40 = vector.broadcast %ge3A_39 : i32 to vector<128x128xi32>
    %ge3A_41 = arith.cmpi sge, %iota3A, %ge3A_40 : vector<128x128xi32>
    %slice3A_42 = vector.extract_strided_slice %add3A_38 {offsets = [124, 0], sizes = [4, 128], strides = [1, 1]} : vector<128x128xf32> to vector<4x128xf32>
    %slice3A_43 = vector.extract_strided_slice %add3A_38 {offsets = [0, 0], sizes = [124, 128], strides = [1, 1]} : vector<128x128xf32> to vector<124x128xf32>
    %concatenate3A_44 = tpu.concatenate %slice3A_42, %slice3A_43 in 0 : vector<4x128xf32>, vector<124x128xf32> -> vector<128x128xf32>
    %jit3A_45 = arith.constant 0.000000e+00 : f32
    %broadcast_in_dim3A_46 = vector.broadcast %jit3A_45 : f32 to vector<128x128xf32>
    %select_n3A_47 = arith.select %ge3A_41, %concatenate3A_44, %broadcast_in_dim3A_46 : vector<128x128xi1>, vector<128x128xf32>
    %add3A_48 = arith.addf %add3A_38, %select_n3A_47 : vector<128x128xf32>
    %ge3A_49 = arith.constant 8 : i32
    %ge3A_50 = vector.broadcast %ge3A_49 : i32 to vector<128x128xi32>
    %ge3A_51 = arith.cmpi sge, %iota3A, %ge3A_50 : vector<128x128xi32>
    %slice3A_52 = vector.extract_strided_slice %add3A_48 {offsets = [120, 0], sizes = [8, 128], strides = [1, 1]} : vector<128x128xf32> to vector<8x128xf32>
    %slice3A_53 = vector.extract_strided_slice %add3A_48 {offsets = [0, 0], sizes = [120, 128], strides = [1, 1]} : vector<128x128xf32> to vector<120x128xf32>
    %concatenate3A_54 = tpu.concatenate %slice3A_52, %slice3A_53 in 0 : vector<8x128xf32>, vector<120x128xf32> -> vector<128x128xf32>
    %jit3A_55 = arith.constant 0.000000e+00 : f32
    %broadcast_in_dim3A_56 = vector.broadcast %jit3A_55 : f32 to vector<128x128xf32>
    %select_n3A_57 = arith.select %ge3A_51, %concatenate3A_54, %broadcast_in_dim3A_56 : vector<128x128xi1>, vector<128x128xf32>
    %add3A_58 = arith.addf %add3A_48, %select_n3A_57 : vector<128x128xf32>
    %ge3A_59 = arith.constant 16 : i32
    %ge3A_60 = vector.broadcast %ge3A_59 : i32 to vector<128x128xi32>
    %ge3A_61 = arith.cmpi sge, %iota3A, %ge3A_60 : vector<128x128xi32>
    %slice3A_62 = vector.extract_strided_slice %add3A_58 {offsets = [112, 0], sizes = [16, 128], strides = [1, 1]} : vector<128x128xf32> to vector<16x128xf32>
    %slice3A_63 = vector.extract_strided_slice %add3A_58 {offsets = [0, 0], sizes = [112, 128], strides = [1, 1]} : vector<128x128xf32> to vector<112x128xf32>
    %concatenate3A_64 = tpu.concatenate %slice3A_62, %slice3A_63 in 0 : vector<16x128xf32>, vector<112x128xf32> -> vector<128x128xf32>
    %jit3A_65 = arith.constant 0.000000e+00 : f32
    %broadcast_in_dim3A_66 = vector.broadcast %jit3A_65 : f32 to vector<128x128xf32>
    %select_n3A_67 = arith.select %ge3A_61, %concatenate3A_64, %broadcast_in_dim3A_66 : vector<128x128xi1>, vector<128x128xf32>
    %add3A_68 = arith.addf %add3A_58, %select_n3A_67 : vector<128x128xf32>
    %ge3A_69 = arith.constant 32 : i32
    %ge3A_70 = vector.broadcast %ge3A_69 : i32 to vector<128x128xi32>
    %ge3A_71 = arith.cmpi sge, %iota3A, %ge3A_70 : vector<128x128xi32>
    %slice3A_72 = vector.extract_strided_slice %add3A_68 {offsets = [96, 0], sizes = [32, 128], strides = [1, 1]} : vector<128x128xf32> to vector<32x128xf32>
    %slice3A_73 = vector.extract_strided_slice %add3A_68 {offsets = [0, 0], sizes = [96, 128], strides = [1, 1]} : vector<128x128xf32> to vector<96x128xf32>
    %concatenate3A_74 = tpu.concatenate %slice3A_72, %slice3A_73 in 0 : vector<32x128xf32>, vector<96x128xf32> -> vector<128x128xf32>
    %jit3A_75 = arith.constant 0.000000e+00 : f32
    %broadcast_in_dim3A_76 = vector.broadcast %jit3A_75 : f32 to vector<128x128xf32>
    %select_n3A_77 = arith.select %ge3A_71, %concatenate3A_74, %broadcast_in_dim3A_76 : vector<128x128xi1>, vector<128x128xf32>
    %add3A_78 = arith.addf %add3A_68, %select_n3A_77 : vector<128x128xf32>
    %ge3A_79 = arith.constant 64 : i32
    %ge3A_80 = vector.broadcast %ge3A_79 : i32 to vector<128x128xi32>
    %ge3A_81 = arith.cmpi sge, %iota3A, %ge3A_80 : vector<128x128xi32>
    %slice3A_82 = vector.extract_strided_slice %add3A_78 {offsets = [64, 0], sizes = [64, 128], strides = [1, 1]} : vector<128x128xf32> to vector<64x128xf32>
    %slice3A_83 = vector.extract_strided_slice %add3A_78 {offsets = [0, 0], sizes = [64, 128], strides = [1, 1]} : vector<128x128xf32> to vector<64x128xf32>
    %concatenate3A_84 = tpu.concatenate %slice3A_82, %slice3A_83 in 0 : vector<64x128xf32>, vector<64x128xf32> -> vector<128x128xf32>
    %jit3A_85 = arith.constant 0.000000e+00 : f32
    %broadcast_in_dim3A_86 = vector.broadcast %jit3A_85 : f32 to vector<128x128xf32>
    %select_n3A_87 = arith.select %ge3A_81, %concatenate3A_84, %broadcast_in_dim3A_86 : vector<128x128xi1>, vector<128x128xf32>
    %add3A_88 = arith.addf %add3A_78, %select_n3A_87 : vector<128x128xf32>
    %slice3A_89 = vector.extract_strided_slice %add3A_88 {offsets = [127, 0], sizes = [1, 128], strides = [1, 1]} : vector<128x128xf32> to vector<1x128xf32>
    %ge3A_90 = arith.constant 1 : i32
    %ge3A_91 = vector.broadcast %ge3A_90 : i32 to vector<1x128xi32>
    %ge3A_92 = arith.cmpi sge, %iota3A_14, %ge3A_91 : vector<1x128xi32>
    %slice3A_93 = vector.extract_strided_slice %slice3A_89 {offsets = [0, 127], sizes = [1, 1], strides = [1, 1]} : vector<1x128xf32> to vector<1x1xf32>
    %slice3A_94 = vector.extract_strided_slice %slice3A_89 {offsets = [0, 0], sizes = [1, 127], strides = [1, 1]} : vector<1x128xf32> to vector<1x127xf32>
    %concatenate3A_95 = tpu.concatenate %slice3A_93, %slice3A_94 in 1 : vector<1x1xf32>, vector<1x127xf32> -> vector<1x128xf32>
    %jit3A_96 = arith.constant 0.000000e+00 : f32
    %broadcast_in_dim3A_97 = vector.broadcast %jit3A_96 : f32 to vector<1x128xf32>
    %select_n3A_98 = arith.select %ge3A_92, %concatenate3A_95, %broadcast_in_dim3A_97 : vector<1x128xi1>, vector<1x128xf32>
    %add3A_99 = arith.addf %slice3A_89, %select_n3A_98 : vector<1x128xf32>
    %ge3A_100 = arith.constant 2 : i32
    %ge3A_101 = vector.broadcast %ge3A_100 : i32 to vector<1x128xi32>
    %ge3A_102 = arith.cmpi sge, %iota3A_14, %ge3A_101 : vector<1x128xi32>
    %slice3A_103 = vector.extract_strided_slice %add3A_99 {offsets = [0, 126], sizes = [1, 2], strides = [1, 1]} : vector<1x128xf32> to vector<1x2xf32>
    %slice3A_104 = vector.extract_strided_slice %add3A_99 {offsets = [0, 0], sizes = [1, 126], strides = [1, 1]} : vector<1x128xf32> to vector<1x126xf32>
    %concatenate3A_105 = tpu.concatenate %slice3A_103, %slice3A_104 in 1 : vector<1x2xf32>, vector<1x126xf32> -> vector<1x128xf32>
    %jit3A_106 = arith.constant 0.000000e+00 : f32
    %broadcast_in_dim3A_107 = vector.broadcast %jit3A_106 : f32 to vector<1x128xf32>
    %select_n3A_108 = arith.select %ge3A_102, %concatenate3A_105, %broadcast_in_dim3A_107 : vector<1x128xi1>, vector<1x128xf32>
    %add3A_109 = arith.addf %add3A_99, %select_n3A_108 : vector<1x128xf32>
    %ge3A_110 = arith.constant 4 : i32
    %ge3A_111 = vector.broadcast %ge3A_110 : i32 to vector<1x128xi32>
    %ge3A_112 = arith.cmpi sge, %iota3A_14, %ge3A_111 : vector<1x128xi32>
    %slice3A_113 = vector.extract_strided_slice %add3A_109 {offsets = [0, 124], sizes = [1, 4], strides = [1, 1]} : vector<1x128xf32> to vector<1x4xf32>
    %slice3A_114 = vector.extract_strided_slice %add3A_109 {offsets = [0, 0], sizes = [1, 124], strides = [1, 1]} : vector<1x128xf32> to vector<1x124xf32>
    %concatenate3A_115 = tpu.concatenate %slice3A_113, %slice3A_114 in 1 : vector<1x4xf32>, vector<1x124xf32> -> vector<1x128xf32>
    %jit3A_116 = arith.constant 0.000000e+00 : f32
    %broadcast_in_dim3A_117 = vector.broadcast %jit3A_116 : f32 to vector<1x128xf32>
    %select_n3A_118 = arith.select %ge3A_112, %concatenate3A_115, %broadcast_in_dim3A_117 : vector<1x128xi1>, vector<1x128xf32>
    %add3A_119 = arith.addf %add3A_109, %select_n3A_118 : vector<1x128xf32>
    %ge3A_120 = arith.constant 8 : i32
    %ge3A_121 = vector.broadcast %ge3A_120 : i32 to vector<1x128xi32>
    %ge3A_122 = arith.cmpi sge, %iota3A_14, %ge3A_121 : vector<1x128xi32>
    %slice3A_123 = vector.extract_strided_slice %add3A_119 {offsets = [0, 120], sizes = [1, 8], strides = [1, 1]} : vector<1x128xf32> to vector<1x8xf32>
    %slice3A_124 = vector.extract_strided_slice %add3A_119 {offsets = [0, 0], sizes = [1, 120], strides = [1, 1]} : vector<1x128xf32> to vector<1x120xf32>
    %concatenate3A_125 = tpu.concatenate %slice3A_123, %slice3A_124 in 1 : vector<1x8xf32>, vector<1x120xf32> -> vector<1x128xf32>
    %jit3A_126 = arith.constant 0.000000e+00 : f32
    %broadcast_in_dim3A_127 = vector.broadcast %jit3A_126 : f32 to vector<1x128xf32>
    %select_n3A_128 = arith.select %ge3A_122, %concatenate3A_125, %broadcast_in_dim3A_127 : vector<1x128xi1>, vector<1x128xf32>
    %add3A_129 = arith.addf %add3A_119, %select_n3A_128 : vector<1x128xf32>
    %ge3A_130 = arith.constant 16 : i32
    %ge3A_131 = vector.broadcast %ge3A_130 : i32 to vector<1x128xi32>
    %ge3A_132 = arith.cmpi sge, %iota3A_14, %ge3A_131 : vector<1x128xi32>
    %slice3A_133 = vector.extract_strided_slice %add3A_129 {offsets = [0, 112], sizes = [1, 16], strides = [1, 1]} : vector<1x128xf32> to vector<1x16xf32>
    %slice3A_134 = vector.extract_strided_slice %add3A_129 {offsets = [0, 0], sizes = [1, 112], strides = [1, 1]} : vector<1x128xf32> to vector<1x112xf32>
    %concatenate3A_135 = tpu.concatenate %slice3A_133, %slice3A_134 in 1 : vector<1x16xf32>, vector<1x112xf32> -> vector<1x128xf32>
    %jit3A_136 = arith.constant 0.000000e+00 : f32
    %broadcast_in_dim3A_137 = vector.broadcast %jit3A_136 : f32 to vector<1x128xf32>
    %select_n3A_138 = arith.select %ge3A_132, %concatenate3A_135, %broadcast_in_dim3A_137 : vector<1x128xi1>, vector<1x128xf32>
    %add3A_139 = arith.addf %add3A_129, %select_n3A_138 : vector<1x128xf32>
    %ge3A_140 = arith.constant 32 : i32
    %ge3A_141 = vector.broadcast %ge3A_140 : i32 to vector<1x128xi32>
    %ge3A_142 = arith.cmpi sge, %iota3A_14, %ge3A_141 : vector<1x128xi32>
    %slice3A_143 = vector.extract_strided_slice %add3A_139 {offsets = [0, 96], sizes = [1, 32], strides = [1, 1]} : vector<1x128xf32> to vector<1x32xf32>
    %slice3A_144 = vector.extract_strided_slice %add3A_139 {offsets = [0, 0], sizes = [1, 96], strides = [1, 1]} : vector<1x128xf32> to vector<1x96xf32>
    %concatenate3A_145 = tpu.concatenate %slice3A_143, %slice3A_144 in 1 : vector<1x32xf32>, vector<1x96xf32> -> vector<1x128xf32>
    %jit3A_146 = arith.constant 0.000000e+00 : f32
    %broadcast_in_dim3A_147 = vector.broadcast %jit3A_146 : f32 to vector<1x128xf32>
    %select_n3A_148 = arith.select %ge3A_142, %concatenate3A_145, %broadcast_in_dim3A_147 : vector<1x128xi1>, vector<1x128xf32>
    %add3A_149 = arith.addf %add3A_139, %select_n3A_148 : vector<1x128xf32>
    %ge3A_150 = arith.constant 64 : i32
    %ge3A_151 = vector.broadcast %ge3A_150 : i32 to vector<1x128xi32>
    %ge3A_152 = arith.cmpi sge, %iota3A_14, %ge3A_151 : vector<1x128xi32>
    %slice3A_153 = vector.extract_strided_slice %add3A_149 {offsets = [0, 64], sizes = [1, 64], strides = [1, 1]} : vector<1x128xf32> to vector<1x64xf32>
    %slice3A_154 = vector.extract_strided_slice %add3A_149 {offsets = [0, 0], sizes = [1, 64], strides = [1, 1]} : vector<1x128xf32> to vector<1x64xf32>
    %concatenate3A_155 = tpu.concatenate %slice3A_153, %slice3A_154 in 1 : vector<1x64xf32>, vector<1x64xf32> -> vector<1x128xf32>
    %jit3A_156 = arith.constant 0.000000e+00 : f32
    %broadcast_in_dim3A_157 = vector.broadcast %jit3A_156 : f32 to vector<1x128xf32>
    %select_n3A_158 = arith.select %ge3A_152, %concatenate3A_155, %broadcast_in_dim3A_157 : vector<1x128xi1>, vector<1x128xf32>
    %add3A_159 = arith.addf %add3A_149, %select_n3A_158 : vector<1x128xf32>
    %sub3A = arith.subf %add3A_159, %slice3A_89 : vector<1x128xf32>
    %add3A_160 = vector.broadcast %sub3A : vector<1x128xf32> to vector<128x128xf32>
    %add3A_161 = arith.addf %add3A_88, %add3A_160 : vector<128x128xf32>
    %ge3A_162 = arith.constant 1 : i32
    %ge3A_163 = vector.broadcast %ge3A_162 : i32 to vector<128x128xi32>
    %ge3A_164 = arith.cmpi sge, %iota3A, %ge3A_163 : vector<128x128xi32>
    %slice3A_165 = vector.extract_strided_slice %get3A_6 {offsets = [127, 0], sizes = [1, 128], strides = [1, 1]} : vector<128x128xf32> to vector<1x128xf32>
    %slice3A_166 = vector.extract_strided_slice %get3A_6 {offsets = [0, 0], sizes = [127, 128], strides = [1, 1]} : vector<128x128xf32> to vector<127x128xf32>
    %concatenate3A_167 = tpu.concatenate %slice3A_165, %slice3A_166 in 0 : vector<1x128xf32>, vector<127x128xf32> -> vector<128x128xf32>
    %jit3A_168 = arith.constant 0.000000e+00 : f32
    %broadcast_in_dim3A_169 = vector.broadcast %jit3A_168 : f32 to vector<128x128xf32>
    %select_n3A_170 = arith.select %ge3A_164, %concatenate3A_167, %broadcast_in_dim3A_169 : vector<128x128xi1>, vector<128x128xf32>
    %add3A_171 = arith.addf %get3A_6, %select_n3A_170 : vector<128x128xf32>
    %ge3A_172 = arith.constant 2 : i32
    %ge3A_173 = vector.broadcast %ge3A_172 : i32 to vector<128x128xi32>
    %ge3A_174 = arith.cmpi sge, %iota3A, %ge3A_173 : vector<128x128xi32>
    %slice3A_175 = vector.extract_strided_slice %add3A_171 {offsets = [126, 0], sizes = [2, 128], strides = [1, 1]} : vector<128x128xf32> to vector<2x128xf32>
    %slice3A_176 = vector.extract_strided_slice %add3A_171 {offsets = [0, 0], sizes = [126, 128], strides = [1, 1]} : vector<128x128xf32> to vector<126x128xf32>
    %concatenate3A_177 = tpu.concatenate %slice3A_175, %slice3A_176 in 0 : vector<2x128xf32>, vector<126x128xf32> -> vector<128x128xf32>
    %jit3A_178 = arith.constant 0.000000e+00 : f32
    %broadcast_in_dim3A_179 = vector.broadcast %jit3A_178 : f32 to vector<128x128xf32>
    %select_n3A_180 = arith.select %ge3A_174, %concatenate3A_177, %broadcast_in_dim3A_179 : vector<128x128xi1>, vector<128x128xf32>
    %add3A_181 = arith.addf %add3A_171, %select_n3A_180 : vector<128x128xf32>
    %ge3A_182 = arith.constant 4 : i32
    %ge3A_183 = vector.broadcast %ge3A_182 : i32 to vector<128x128xi32>
    %ge3A_184 = arith.cmpi sge, %iota3A, %ge3A_183 : vector<128x128xi32>
    %slice3A_185 = vector.extract_strided_slice %add3A_181 {offsets = [124, 0], sizes = [4, 128], strides = [1, 1]} : vector<128x128xf32> to vector<4x128xf32>
    %slice3A_186 = vector.extract_strided_slice %add3A_181 {offsets = [0, 0], sizes = [124, 128], strides = [1, 1]} : vector<128x128xf32> to vector<124x128xf32>
    %concatenate3A_187 = tpu.concatenate %slice3A_185, %slice3A_186 in 0 : vector<4x128xf32>, vector<124x128xf32> -> vector<128x128xf32>
    %jit3A_188 = arith.constant 0.000000e+00 : f32
    %broadcast_in_dim3A_189 = vector.broadcast %jit3A_188 : f32 to vector<128x128xf32>
    %select_n3A_190 = arith.select %ge3A_184, %concatenate3A_187, %broadcast_in_dim3A_189 : vector<128x128xi1>, vector<128x128xf32>
    %add3A_191 = arith.addf %add3A_181, %select_n3A_190 : vector<128x128xf32>
    %ge3A_192 = arith.constant 8 : i32
    %ge3A_193 = vector.broadcast %ge3A_192 : i32 to vector<128x128xi32>
    %ge3A_194 = arith.cmpi sge, %iota3A, %ge3A_193 : vector<128x128xi32>
    %slice3A_195 = vector.extract_strided_slice %add3A_191 {offsets = [120, 0], sizes = [8, 128], strides = [1, 1]} : vector<128x128xf32> to vector<8x128xf32>
    %slice3A_196 = vector.extract_strided_slice %add3A_191 {offsets = [0, 0], sizes = [120, 128], strides = [1, 1]} : vector<128x128xf32> to vector<120x128xf32>
    %concatenate3A_197 = tpu.concatenate %slice3A_195, %slice3A_196 in 0 : vector<8x128xf32>, vector<120x128xf32> -> vector<128x128xf32>
    %jit3A_198 = arith.constant 0.000000e+00 : f32
    %broadcast_in_dim3A_199 = vector.broadcast %jit3A_198 : f32 to vector<128x128xf32>
    %select_n3A_200 = arith.select %ge3A_194, %concatenate3A_197, %broadcast_in_dim3A_199 : vector<128x128xi1>, vector<128x128xf32>
    %add3A_201 = arith.addf %add3A_191, %select_n3A_200 : vector<128x128xf32>
    %ge3A_202 = arith.constant 16 : i32
    %ge3A_203 = vector.broadcast %ge3A_202 : i32 to vector<128x128xi32>
    %ge3A_204 = arith.cmpi sge, %iota3A, %ge3A_203 : vector<128x128xi32>
    %slice3A_205 = vector.extract_strided_slice %add3A_201 {offsets = [112, 0], sizes = [16, 128], strides = [1, 1]} : vector<128x128xf32> to vector<16x128xf32>
    %slice3A_206 = vector.extract_strided_slice %add3A_201 {offsets = [0, 0], sizes = [112, 128], strides = [1, 1]} : vector<128x128xf32> to vector<112x128xf32>
    %concatenate3A_207 = tpu.concatenate %slice3A_205, %slice3A_206 in 0 : vector<16x128xf32>, vector<112x128xf32> -> vector<128x128xf32>
    %jit3A_208 = arith.constant 0.000000e+00 : f32
    %broadcast_in_dim3A_209 = vector.broadcast %jit3A_208 : f32 to vector<128x128xf32>
    %select_n3A_210 = arith.select %ge3A_204, %concatenate3A_207, %broadcast_in_dim3A_209 : vector<128x128xi1>, vector<128x128xf32>
    %add3A_211 = arith.addf %add3A_201, %select_n3A_210 : vector<128x128xf32>
    %ge3A_212 = arith.constant 32 : i32
    %ge3A_213 = vector.broadcast %ge3A_212 : i32 to vector<128x128xi32>
    %ge3A_214 = arith.cmpi sge, %iota3A, %ge3A_213 : vector<128x128xi32>
    %slice3A_215 = vector.extract_strided_slice %add3A_211 {offsets = [96, 0], sizes = [32, 128], strides = [1, 1]} : vector<128x128xf32> to vector<32x128xf32>
    %slice3A_216 = vector.extract_strided_slice %add3A_211 {offsets = [0, 0], sizes = [96, 128], strides = [1, 1]} : vector<128x128xf32> to vector<96x128xf32>
    %concatenate3A_217 = tpu.concatenate %slice3A_215, %slice3A_216 in 0 : vector<32x128xf32>, vector<96x128xf32> -> vector<128x128xf32>
    %jit3A_218 = arith.constant 0.000000e+00 : f32
    %broadcast_in_dim3A_219 = vector.broadcast %jit3A_218 : f32 to vector<128x128xf32>
    %select_n3A_220 = arith.select %ge3A_214, %concatenate3A_217, %broadcast_in_dim3A_219 : vector<128x128xi1>, vector<128x128xf32>
    %add3A_221 = arith.addf %add3A_211, %select_n3A_220 : vector<128x128xf32>
    %ge3A_222 = arith.constant 64 : i32
    %ge3A_223 = vector.broadcast %ge3A_222 : i32 to vector<128x128xi32>
    %ge3A_224 = arith.cmpi sge, %iota3A, %ge3A_223 : vector<128x128xi32>
    %slice3A_225 = vector.extract_strided_slice %add3A_221 {offsets = [64, 0], sizes = [64, 128], strides = [1, 1]} : vector<128x128xf32> to vector<64x128xf32>
    %slice3A_226 = vector.extract_strided_slice %add3A_221 {offsets = [0, 0], sizes = [64, 128], strides = [1, 1]} : vector<128x128xf32> to vector<64x128xf32>
    %concatenate3A_227 = tpu.concatenate %slice3A_225, %slice3A_226 in 0 : vector<64x128xf32>, vector<64x128xf32> -> vector<128x128xf32>
    %jit3A_228 = arith.constant 0.000000e+00 : f32
    %broadcast_in_dim3A_229 = vector.broadcast %jit3A_228 : f32 to vector<128x128xf32>
    %select_n3A_230 = arith.select %ge3A_224, %concatenate3A_227, %broadcast_in_dim3A_229 : vector<128x128xi1>, vector<128x128xf32>
    %add3A_231 = arith.addf %add3A_221, %select_n3A_230 : vector<128x128xf32>
    %slice3A_232 = vector.extract_strided_slice %add3A_231 {offsets = [127, 0], sizes = [1, 128], strides = [1, 1]} : vector<128x128xf32> to vector<1x128xf32>
    %ge3A_233 = arith.constant 1 : i32
    %ge3A_234 = vector.broadcast %ge3A_233 : i32 to vector<1x128xi32>
    %ge3A_235 = arith.cmpi sge, %iota3A_14, %ge3A_234 : vector<1x128xi32>
    %slice3A_236 = vector.extract_strided_slice %slice3A_232 {offsets = [0, 127], sizes = [1, 1], strides = [1, 1]} : vector<1x128xf32> to vector<1x1xf32>
    %slice3A_237 = vector.extract_strided_slice %slice3A_232 {offsets = [0, 0], sizes = [1, 127], strides = [1, 1]} : vector<1x128xf32> to vector<1x127xf32>
    %concatenate3A_238 = tpu.concatenate %slice3A_236, %slice3A_237 in 1 : vector<1x1xf32>, vector<1x127xf32> -> vector<1x128xf32>
    %jit3A_239 = arith.constant 0.000000e+00 : f32
    %broadcast_in_dim3A_240 = vector.broadcast %jit3A_239 : f32 to vector<1x128xf32>
    %select_n3A_241 = arith.select %ge3A_235, %concatenate3A_238, %broadcast_in_dim3A_240 : vector<1x128xi1>, vector<1x128xf32>
    %add3A_242 = arith.addf %slice3A_232, %select_n3A_241 : vector<1x128xf32>
    %ge3A_243 = arith.constant 2 : i32
    %ge3A_244 = vector.broadcast %ge3A_243 : i32 to vector<1x128xi32>
    %ge3A_245 = arith.cmpi sge, %iota3A_14, %ge3A_244 : vector<1x128xi32>
    %slice3A_246 = vector.extract_strided_slice %add3A_242 {offsets = [0, 126], sizes = [1, 2], strides = [1, 1]} : vector<1x128xf32> to vector<1x2xf32>
    %slice3A_247 = vector.extract_strided_slice %add3A_242 {offsets = [0, 0], sizes = [1, 126], strides = [1, 1]} : vector<1x128xf32> to vector<1x126xf32>
    %concatenate3A_248 = tpu.concatenate %slice3A_246, %slice3A_247 in 1 : vector<1x2xf32>, vector<1x126xf32> -> vector<1x128xf32>
    %jit3A_249 = arith.constant 0.000000e+00 : f32
    %broadcast_in_dim3A_250 = vector.broadcast %jit3A_249 : f32 to vector<1x128xf32>
    %select_n3A_251 = arith.select %ge3A_245, %concatenate3A_248, %broadcast_in_dim3A_250 : vector<1x128xi1>, vector<1x128xf32>
    %add3A_252 = arith.addf %add3A_242, %select_n3A_251 : vector<1x128xf32>
    %ge3A_253 = arith.constant 4 : i32
    %ge3A_254 = vector.broadcast %ge3A_253 : i32 to vector<1x128xi32>
    %ge3A_255 = arith.cmpi sge, %iota3A_14, %ge3A_254 : vector<1x128xi32>
    %slice3A_256 = vector.extract_strided_slice %add3A_252 {offsets = [0, 124], sizes = [1, 4], strides = [1, 1]} : vector<1x128xf32> to vector<1x4xf32>
    %slice3A_257 = vector.extract_strided_slice %add3A_252 {offsets = [0, 0], sizes = [1, 124], strides = [1, 1]} : vector<1x128xf32> to vector<1x124xf32>
    %concatenate3A_258 = tpu.concatenate %slice3A_256, %slice3A_257 in 1 : vector<1x4xf32>, vector<1x124xf32> -> vector<1x128xf32>
    %jit3A_259 = arith.constant 0.000000e+00 : f32
    %broadcast_in_dim3A_260 = vector.broadcast %jit3A_259 : f32 to vector<1x128xf32>
    %select_n3A_261 = arith.select %ge3A_255, %concatenate3A_258, %broadcast_in_dim3A_260 : vector<1x128xi1>, vector<1x128xf32>
    %add3A_262 = arith.addf %add3A_252, %select_n3A_261 : vector<1x128xf32>
    %ge3A_263 = arith.constant 8 : i32
    %ge3A_264 = vector.broadcast %ge3A_263 : i32 to vector<1x128xi32>
    %ge3A_265 = arith.cmpi sge, %iota3A_14, %ge3A_264 : vector<1x128xi32>
    %slice3A_266 = vector.extract_strided_slice %add3A_262 {offsets = [0, 120], sizes = [1, 8], strides = [1, 1]} : vector<1x128xf32> to vector<1x8xf32>
    %slice3A_267 = vector.extract_strided_slice %add3A_262 {offsets = [0, 0], sizes = [1, 120], strides = [1, 1]} : vector<1x128xf32> to vector<1x120xf32>
    %concatenate3A_268 = tpu.concatenate %slice3A_266, %slice3A_267 in 1 : vector<1x8xf32>, vector<1x120xf32> -> vector<1x128xf32>
    %jit3A_269 = arith.constant 0.000000e+00 : f32
    %broadcast_in_dim3A_270 = vector.broadcast %jit3A_269 : f32 to vector<1x128xf32>
    %select_n3A_271 = arith.select %ge3A_265, %concatenate3A_268, %broadcast_in_dim3A_270 : vector<1x128xi1>, vector<1x128xf32>
    %add3A_272 = arith.addf %add3A_262, %select_n3A_271 : vector<1x128xf32>
    %ge3A_273 = arith.constant 16 : i32
    %ge3A_274 = vector.broadcast %ge3A_273 : i32 to vector<1x128xi32>
    %ge3A_275 = arith.cmpi sge, %iota3A_14, %ge3A_274 : vector<1x128xi32>
    %slice3A_276 = vector.extract_strided_slice %add3A_272 {offsets = [0, 112], sizes = [1, 16], strides = [1, 1]} : vector<1x128xf32> to vector<1x16xf32>
    %slice3A_277 = vector.extract_strided_slice %add3A_272 {offsets = [0, 0], sizes = [1, 112], strides = [1, 1]} : vector<1x128xf32> to vector<1x112xf32>
    %concatenate3A_278 = tpu.concatenate %slice3A_276, %slice3A_277 in 1 : vector<1x16xf32>, vector<1x112xf32> -> vector<1x128xf32>
    %jit3A_279 = arith.constant 0.000000e+00 : f32
    %broadcast_in_dim3A_280 = vector.broadcast %jit3A_279 : f32 to vector<1x128xf32>
    %select_n3A_281 = arith.select %ge3A_275, %concatenate3A_278, %broadcast_in_dim3A_280 : vector<1x128xi1>, vector<1x128xf32>
    %add3A_282 = arith.addf %add3A_272, %select_n3A_281 : vector<1x128xf32>
    %ge3A_283 = arith.constant 32 : i32
    %ge3A_284 = vector.broadcast %ge3A_283 : i32 to vector<1x128xi32>
    %ge3A_285 = arith.cmpi sge, %iota3A_14, %ge3A_284 : vector<1x128xi32>
    %slice3A_286 = vector.extract_strided_slice %add3A_282 {offsets = [0, 96], sizes = [1, 32], strides = [1, 1]} : vector<1x128xf32> to vector<1x32xf32>
    %slice3A_287 = vector.extract_strided_slice %add3A_282 {offsets = [0, 0], sizes = [1, 96], strides = [1, 1]} : vector<1x128xf32> to vector<1x96xf32>
    %concatenate3A_288 = tpu.concatenate %slice3A_286, %slice3A_287 in 1 : vector<1x32xf32>, vector<1x96xf32> -> vector<1x128xf32>
    %jit3A_289 = arith.constant 0.000000e+00 : f32
    %broadcast_in_dim3A_290 = vector.broadcast %jit3A_289 : f32 to vector<1x128xf32>
    %select_n3A_291 = arith.select %ge3A_285, %concatenate3A_288, %broadcast_in_dim3A_290 : vector<1x128xi1>, vector<1x128xf32>
    %add3A_292 = arith.addf %add3A_282, %select_n3A_291 : vector<1x128xf32>
    %ge3A_293 = arith.constant 64 : i32
    %ge3A_294 = vector.broadcast %ge3A_293 : i32 to vector<1x128xi32>
    %ge3A_295 = arith.cmpi sge, %iota3A_14, %ge3A_294 : vector<1x128xi32>
    %slice3A_296 = vector.extract_strided_slice %add3A_292 {offsets = [0, 64], sizes = [1, 64], strides = [1, 1]} : vector<1x128xf32> to vector<1x64xf32>
    %slice3A_297 = vector.extract_strided_slice %add3A_292 {offsets = [0, 0], sizes = [1, 64], strides = [1, 1]} : vector<1x128xf32> to vector<1x64xf32>
    %concatenate3A_298 = tpu.concatenate %slice3A_296, %slice3A_297 in 1 : vector<1x64xf32>, vector<1x64xf32> -> vector<1x128xf32>
    %jit3A_299 = arith.constant 0.000000e+00 : f32
    %broadcast_in_dim3A_300 = vector.broadcast %jit3A_299 : f32 to vector<1x128xf32>
    %select_n3A_301 = arith.select %ge3A_295, %concatenate3A_298, %broadcast_in_dim3A_300 : vector<1x128xi1>, vector<1x128xf32>
    %add3A_302 = arith.addf %add3A_292, %select_n3A_301 : vector<1x128xf32>
    %sub3A_303 = arith.subf %add3A_302, %slice3A_232 : vector<1x128xf32>
    %add3A_304 = vector.broadcast %sub3A_303 : vector<1x128xf32> to vector<128x128xf32>
    %add3A_305 = arith.addf %add3A_231, %add3A_304 : vector<128x128xf32>
    %reduce_sum3A = vector.shape_cast %get3A_12 : vector<128x128xf32> to vector<1x128x128xf32>
    %reduce_sum3A_306 = arith.constant dense<0.000000e+00> : vector<1xf32>
    %reduce_sum3A_307 = vector.multi_reduction <add>, %reduce_sum3A, %reduce_sum3A_306 [1, 2] : vector<1x128x128xf32> to vector<1xf32>
    %reduce_sum3A_308 = vector.shape_cast %reduce_sum3A_307 : vector<1xf32> to vector<1x1x1xf32>
    %reduce_sum3A_309 = vector.extract %reduce_sum3A_308[0, 0, 0] : f32 from vector<1x1x1xf32>
    %reduce_sum3A_310 = vector.shape_cast %get3A_6 : vector<128x128xf32> to vector<1x128x128xf32>
    %reduce_sum3A_311 = arith.constant dense<0.000000e+00> : vector<1xf32>
    %reduce_sum3A_312 = vector.multi_reduction <add>, %reduce_sum3A_310, %reduce_sum3A_311 [1, 2] : vector<1x128x128xf32> to vector<1xf32>
    %reduce_sum3A_313 = vector.shape_cast %reduce_sum3A_312 : vector<1xf32> to vector<1x1x1xf32>
    %reduce_sum3A_314 = vector.extract %reduce_sum3A_313[0, 0, 0] : f32 from vector<1x1x1xf32>
    %sub3A_315 = vector.broadcast %reduce_sum3A_314 : f32 to vector<128x128xf32>
    %sub3A_316 = arith.subf %sub3A_315, %add3A_305 : vector<128x128xf32>
    %add3A_317 = vector.broadcast %reduce_sum3A_309 : f32 to vector<128x128xf32>
    %add3A_318 = arith.addf %add3A_317, %sub3A_316 : vector<128x128xf32>
    %max3A = arith.constant 1.000000e+00 : f32
    %max3A_319 = vector.broadcast %max3A : f32 to vector<128x128xf32>
    %max3A_320 = arith.maximumf %add3A_318, %max3A_319 : vector<128x128xf32>
    %add3A_321 = vector.broadcast %reduce_sum3A_309 : f32 to vector<128x128xf32>
    %add3A_322 = arith.addf %add3A_321, %sub3A_316 : vector<128x128xf32>
    %add3A_323 = arith.addf %add3A_322, %get3A_6 : vector<128x128xf32>
    %max3A_324 = arith.constant 1.000000e+00 : f32
    %max3A_325 = vector.broadcast %max3A_324 : f32 to vector<128x128xf32>
    %max3A_326 = arith.maximumf %add3A_323, %max3A_325 : vector<128x128xf32>
    %div3A = arith.divf %mul3A_23, %max3A_320 : vector<128x128xf32>
    %reduce_sum3A_327 = vector.shape_cast %div3A : vector<128x128xf32> to vector<1x128x128xf32>
    %reduce_sum3A_328 = arith.constant dense<0.000000e+00> : vector<1xf32>
    %reduce_sum3A_329 = vector.multi_reduction <add>, %reduce_sum3A_327, %reduce_sum3A_328 [1, 2] : vector<1x128x128xf32> to vector<1xf32>
    %reduce_sum3A_330 = vector.shape_cast %reduce_sum3A_329 : vector<1xf32> to vector<1x1x1xf32>
    %reduce_sum3A_331 = vector.extract %reduce_sum3A_330[0, 0, 0] : f32 from vector<1x1x1xf32>
    %sub3A_332 = arith.subf %add3A_161, %get3A_12 : vector<128x128xf32>
    %mul3A_333 = arith.mulf %mul3A_24, %sub3A_332 : vector<128x128xf32>
    %mul3A_334 = arith.mulf %max3A_320, %max3A_326 : vector<128x128xf32>
    %div3A_335 = arith.divf %mul3A_333, %mul3A_334 : vector<128x128xf32>
    %reduce_sum3A_336 = vector.shape_cast %div3A_335 : vector<128x128xf32> to vector<1x128x128xf32>
    %reduce_sum3A_337 = arith.constant dense<0.000000e+00> : vector<1xf32>
    %reduce_sum3A_338 = vector.multi_reduction <add>, %reduce_sum3A_336, %reduce_sum3A_337 [1, 2] : vector<1x128x128xf32> to vector<1xf32>
    %reduce_sum3A_339 = vector.shape_cast %reduce_sum3A_338 : vector<1xf32> to vector<1x1x1xf32>
    %reduce_sum3A_340 = vector.extract %reduce_sum3A_339[0, 0, 0] : f32 from vector<1x1x1xf32>
    %add3A_341 = arith.addf %reduce_sum3A_331, %reduce_sum3A_340 : f32
    %gt3A = arith.constant 0.000000e+00 : f32
    %gt3A_342 = arith.cmpf ogt, %reduce_sum3A_309, %gt3A : f32
    %convert_element_type3A_343 = arith.extui %gt3A_342 : i1 to i32
    %convert_element_type3A_344 = arith.sitofp %convert_element_type3A_343 : i32 to f32
    %get3A_345 = arith.constant 0 : index
    %get3A_346 = memref.load %arg3[%get3A_345] : memref<2xf32, #tpu.memory_space<smem>>
    %mul3A_347 = arith.mulf %add3A_341, %convert_element_type3A_344 : f32
    %add3A_348 = arith.addf %get3A_346, %mul3A_347 : f32
    %swap3A = arith.constant 0 : index
    %swap3A_349 = memref.load %arg3[%swap3A] : memref<2xf32, #tpu.memory_space<smem>>
    memref.store %add3A_348, %arg3[%swap3A] : memref<2xf32, #tpu.memory_space<smem>>
    %get3A_350 = arith.constant 1 : index
    %get3A_351 = memref.load %arg3[%get3A_350] : memref<2xf32, #tpu.memory_space<smem>>
    %add3A_352 = arith.addf %get3A_351, %convert_element_type3A_344 : f32
    %swap3A_353 = arith.constant 1 : index
    %swap3A_354 = memref.load %arg3[%swap3A_353] : memref<2xf32, #tpu.memory_space<smem>>
    memref.store %add3A_352, %arg3[%swap3A_353] : memref<2xf32, #tpu.memory_space<smem>>
    %get3A_355 = arith.constant 1 : index
    %get3A_356 = memref.load %arg3[%get3A_355] : memref<2xf32, #tpu.memory_space<smem>>
    %gt3A_357 = arith.constant 0.000000e+00 : f32
    %gt3A_358 = arith.cmpf ogt, %get3A_356, %gt3A_357 : f32
    %get3A_359 = arith.constant 0 : index
    %get3A_360 = memref.load %arg3[%get3A_359] : memref<2xf32, #tpu.memory_space<smem>>
    %div3A_361 = arith.divf %get3A_360, %get3A_356 : f32
    %jit3A_362 = arith.constant 0.000000e+00 : f32
    %select_n3A_363 = arith.select %gt3A_358, %div3A_361, %jit3A_362 : f32
    %broadcast_in_dim3A_364 = vector.broadcast %select_n3A_363 : f32 to vector<1x1xf32>
    %swap3A_365 = arith.constant 0 : index
    %swap3A_366 = arith.constant 0 : index
    %swap3A_367 = vector.load %arg2[%swap3A_365, %swap3A_366] : memref<1x1xf32, #tpu.memory_space<vmem>>, vector<1x1xf32>
    tpu.vector_store %arg2[%swap3A_365, %swap3A_366], %broadcast_in_dim3A_364 {strides = array<i32>} : memref<1x1xf32, #tpu.memory_space<vmem>>, vector<1x1xf32>,
    return
  }
  func.func @transform_0(%arg0: i32) -> (i32, i32, i32, i32) {
    %c0_i32 = arith.constant 0 : i32
    %c0_i32_0 = arith.constant 0 : i32
    %c0_i32_1 = arith.constant 0 : i32
    %c0_i32_2 = arith.constant 0 : i32
    return %arg0, %c0_i32, %c0_i32_0, %c0_i32_1 : i32, i32, i32, i32
  }
  func.func @transform_1(%arg0: i32) -> (i32, i32) {
    %c0_i32 = arith.constant 0 : i32
    %c0_i32_0 = arith.constant 0 : i32
    %c0_i32_1 = arith.constant 0 : i32
    return %c0_i32, %c0_i32_0 : i32, i32
  }
}

</mosaic_0001>

<sc_bundles>
// kernel: kernel.4.cloned.1.call-start
scs
__scs_entry_jumppad:
0x0: {  	(pc) =	sbr.rel $0x88, $3  }
0x1: {  	(tag) =	ssettag $0x0;
	lr =	simm.s32 $0x1  }
0x2: {  	[smem:$0x3F9F] =	sst lr;
	_ =	strace $0xD0000000  }
0x3: {  	_ = 	snop  }
0x4: {  	_ = 	snop  }
0x5: {  	_ = 	snop  }
0x6: {  	_ = 	snop  }
0x7: {  	_ = 	snop  }
__scs_overlays_trampoline_lowered:
0x8: {  	[smem:$0x3FAE] =	sst s0  }
0x9: {  	[smem:$0x3FAF] =	sst s1  }
0xa: {  	[smem:$0x3FB0] =	sst s2  }
0xb: {  	[smem:$0x3FB1] =	sst s3  }
0xc: {  	[smem:$0x3FB2] =	sst s4  }
0xd: {  	[smem:$0x3FB3] =	sst s5  }
0xe: {  	[smem:$0x3FB4] =	sst s6  }
0xf: {  	[smem:$0x3FB5] =	sst s7  }
0x10: {  	[smem:$0x3FB6] =	sst s8  }
0x11: {  	[smem:$0x3FB7] =	sst s9;
	s0 =	simm.s32 @!p0 $0x0  }
0x12: {  	s1 =	sld [smem:$0x3F9D];
	s0 =	simm.s32 @p0 $0x1  }
0x13: {  	[smem:$0x3FB8] =	sst s0;
	s0 =	simm.s32 @!p1 $0x0  }
0x14: {  	s2 =	sld [smem:$0x3F9C];
	s0 =	simm.s32 @p1 $0x1  }
0x15: {  	[smem:$0x3FB9] =	sst s0;
	s0 =	simm.s32 @!p2 $0x0  }
0x16: {  	s3 =	sld [smem:$0x3FDB];
	s0 =	simm.s32 @p2 $0x1  }
0x17: {  	s4 =	simm.s32 $0x1BF5;
	[smem:$0x3FBB] =	sst s0  }
0x18: {  	s0 =	sld [smem:$0x3F9E];
	_ =	swait.ge [sflag:s4], $0x0  }
0x19: {  	s7 =	sld [smem:$0x3F9F]  }
0x1a: {  	s8 =	sadd.s32 $0xFFFFE003, lr  }
0x1b: {  	s9 =	sadd.s32 $0xFFFFFEF7, lr;
	s5 =	simm.s32 $0xFFFFFFFF;
	p2 =	slt.u32 s8, $0xFFFFF086  }
0x1c: {  	p1 =	slt.u32 s9, $0xF7A;
	s5 =	simm.s32 @!p2 $0x0  }
0x1d: {  	s5 =	simm.s32 @p1 $0x1;
	p0 =	seq.s32 s7, s2  }
0x1e: {  	s7 =	smul.u32 @!p0 $0xF7A, s2;
	p2 =	seq.s32 @!p0 s5, $0x0  }
0x1f: {  	s9 =	smul.u32 $0xF7A, s1;
	s8 =	simm.s32 @!p0 $0x1BF5;
	p2 =	por !p2, p0  }
0x20: {  	[sflag:s8] =	ssyncset.s32 @!p0 $0xFFFFF086;
	s6 =	sadd.s32 @!p0 s3, s7;
	s7 =	simm.s32 @!p0 $0x108  }
0x21: {  	s3 =	sadd.s32 s3, s9;
	s6 =	sadd.s32 @!p0 $0x88, s6;
	s7 =	simm.s32 @p2 $0x1082  }
0x22: {  	[simem:s7], [sflag:s8] =	dma.local @!p0 [hbm:s6], $0xF7A  }
0x23: {  	s9 =	sor.u32 $0xD0000000, s2;
	s6 =	simm.s32 $0x108;
	_ =	swait.ge @!p0 [sflag:s8], $0x0  }
0x24: {  	s3 =	sadd.s32 $0x88, s3;
	s6 =	simm.s32 @!p1 $0x1082;
	[sflag:s4] =	ssyncset.s32 $0xFFFFF086  }
0x25: {  	[simem:s6], [sflag:s4] =	dma.local [hbm:s3], $0xF7A  }
0x26: {  	[smem:$0x3F9F] =	sst s1;
	(tag) =	ssettag s2;
	_ =	strace s9  }
0x27: {  	s1 =	sld [smem:$0x3FAF]  }
0x28: {  	s2 =	sld [smem:$0x3FB0]  }
0x29: {  	s4 =	sld [smem:$0x3FB2]  }
0x2a: {  	p0 =	seq.s32 s5, $0x0;
	s5 =	sld [smem:$0x3FB3]  }
0x2b: {  	s6 =	sld [smem:$0x3FB4]  }
0x2c: {  	s7 =	sld [smem:$0x3FB5]  }
0x2d: {  	s3 =	simm.s32 $0x108;
	s8 =	sld [smem:$0x3FB6]  }
0x2e: {  	s3 =	simm.s32 @!p0 $0x1082;
	s9 =	sld [smem:$0x3FB7]  }
0x2f: {  	lr =	sadd.s32 s0, s3;
	s0 =	sld [smem:$0x3FAE]  }
0x30: {  	s3 =	sld [smem:$0x3FB1]  }
0x31: {  	[smem:$0x3FBA] =	sst s10  }
0x32: {  	s10 =	sld [smem:$0x3FB8];
	_ =	sdelay $0x3  }
0x33: {  	p0 =	seq.s32 s10, $0x1;
	s10 =	sld [smem:$0x3FBA];
	_ =	sdelay $0x3  }
0x34: {  	[smem:$0x3FBA] =	sst s10  }
0x35: {  	s10 =	sld [smem:$0x3FB9];
	_ =	sdelay $0x3  }
0x36: {  	p1 =	seq.s32 s10, $0x1;
	s10 =	sld [smem:$0x3FBA];
	_ =	sdelay $0x3  }
0x37: {  	[smem:$0x3FBA] =	sst s10  }
0x38: {  	s10 =	sld [smem:$0x3FBB]  }
0x39: {  	_ = 	snop;
	(pc) =	sbr.ind lr, $3  }
0x3a: {  	_ = 	snop  }
0x3b: {  	_ = 	snop  }
0x3c: {  	p2 =	seq.s32 s10, $0x1;
	s10 =	sld [smem:$0x3FBA]  }
0x3d: {  	_ =	shalt  }
0x3e: {  	_ =	shalt  }
0x3f: {  	_ =	shalt  }
0x40: {  	_ =	shalt  }
0x41: {  	_ =	shalt  }
0x42: {  	_ =	shalt  }
0x43: {  	_ =	shalt  }
0x44: {  	_ =	shalt  }
0x45: {  	_ =	shalt  }
0x46: {  	_ =	shalt  }
0x47: {  	_ =	shalt  }
0x48: {  	_ =	shalt  }
0x49: {  	_ =	shalt  }
0x4a: {  	_ =	shalt  }
0x4b: {  	_ =	shalt  }
0x4c: {  	_ =	shalt  }
0x4d: {  	_ =	shalt  }
0x4e: {  	_ =	shalt  }
0x4f: {  	_ =	shalt  }
0x50: {  	_ =	shalt  }
0x51: {  	_ =	shalt  }
0x52: {  	_ =	shalt  }
0x53: {  	_ =	shalt  }
0x54: {  	_ =	shalt  }
0x55: {  	_ =	shalt  }
0x56: {  	_ =	shalt  }
0x57: {  	_ =	shalt  }
0x58: {  	_ =	shalt  }
0x59: {  	_ =	shalt  }
0x5a: {  	_ =	shalt  }
0x5b: {  	_ =	shalt  }
0x5c: {  	_ =	shalt  }
0x5d: {  	_ =	shalt  }
0x5e: {  	_ =	shalt  }
0x5f: {  	_ =	shalt  }
0x60: {  	_ =	shalt  }
0x61: {  	_ =	shalt  }
0x62: {  	_ =	shalt  }
0x63: {  	_ =	shalt  }
0x64: {  	_ =	shalt  }
0x65: {  	_ =	shalt  }
0x66: {  	_ =	shalt  }
0x67: {  	_ =	shalt  }
0x68: {  	_ =	shalt  }
0x69: {  	_ =	shalt  }
0x6a: {  	_ =	shalt  }
0x6b: {  	_ =	shalt  }
0x6c: {  	_ =	shalt  }
0x6d: {  	_ =	shalt  }
0x6e: {  	_ =	shalt  }
0x6f: {  	_ =	shalt  }
0x70: {  	_ =	shalt  }
0x71: {  	_ =	shalt  }
0x72: {  	_ =	shalt  }
0x73: {  	_ =	shalt  }
0x74: {  	_ =	shalt  }
0x75: {  	_ =	shalt  }
0x76: {  	_ =	shalt  }
0x77: {  	_ =	shalt  }
0x78: {  	_ =	shalt  }
0x79: {  	_ =	shalt  }
0x7a: {  	_ =	shalt  }
0x7b: {  	_ =	shalt  }
0x7c: {  	_ =	shalt  }
0x7d: {  	_ =	shalt  }
0x7e: {  	_ =	shalt  }
0x7f: {  	_ =	shalt  }
0x80: {  	_ =	shalt  }
0x81: {  	_ =	shalt  }
0x82: {  	_ =	shalt  }
0x83: {  	_ =	shalt  }
0x84: {  	_ =	shalt  }
0x85: {  	_ =	shalt  }
0x86: {  	_ =	shalt  }
0x87: {  	_ =	shalt  }
.Lfunc_end0:
.L_simem_size_0:
called_computation_lowered:
.L_overlay_start_0:
0x88: {  	s2 =	sld [smem:$0x3FD9]  }
0x89: {  	s3 =	sld [smem:$0x3FFE];
	_ =	sdelay $0x1  }
0x8a: {  	s1 =	srdreg.scid  }
0x8b: {  	s0 =	sand.u32 $0x1, s1  }
0x8c: {  	s17 =	sshll.u32 s0, $0xA;
	s2 =	sadd.s32 s3, s2  }
0x8d: {  	s2 =	sadd.s32 s2, s17  }
0x8e: {  	[smem:$0x3FC6] =	sst s2  }
0x8f: {  	_ = 	snop  }
0x90: {  	s2 =	sld [smem:$0x3FC9]  }
0x91: {  	s18 =	sld [smem:$0x3FC8];
	(tm) =	ssettm $0x1  }
0x92: {  	s4 =	sld [smem:$0x3FFB];
	_ =	sdelay $0x3  }
0x93: {  	_ =	strace s4  }
0x94: {  	s4 =	sld [smem:$0x3FFC];
	_ =	sdelay $0x3  }
0x95: {  	_ =	strace s4  }
0x96: {  	s4 =	sld [smem:$0x3FFD];
	_ =	sdelay $0x3  }
0x97: {  	_ =	strace s4  }
0x98: {  	_ =	strace $0x8FFFFFFF  }
0x99: {  	s19 =	sld [smem:$0x3FDB];
	_ =	sdelay $0x1  }
0x9a: {  	s5 =	simm.s32 $_scs_section_size  }
0x9b: {  	s6 =	simm.s32 $_size__tile_overlayer_lowered;
	s7 =	simm.s32 $_tile_overlayer_lowered  }
0x9c: {  	s22 =	simm.s32 $0x1BFF;
	s21 =	sshll.u32 s7, $0x1;
	s4 =	sadd.s32 s5, s19  }
0x9d: {  	s8 =	simm.s32 $0x0;
	s20 =	sshll.u32 s6, $0x1;
	s6 =	sadd.s32 s21, s4  }
0x9e: {  	[timem:s8], [sflag:s22] =	dma.local [hbm:s6], s20  }
0x9f: {  	_ =	swait.ge [sflag:s22], s20  }
0xa0: {  	s5 =	ssub.s32 $0x0, s20;
	[sflag:s22] =	ssyncset.done $0x0  }
0xa1: {  	[sflag:s22] =	ssyncadd.s32 s5;
	_ =	sdelay $0x1  }
0xa2: {  	s23 =	simm.s32 $0x1B8B  }
0xa3: {  	_ =	swait.ge [sflag:s23], $0x1  }
0xa4: {  	[sflag:s23] =	ssyncset.done $0x0  }
0xa5: {  	s25 =	simm.s32 $0x1B8E;
	s24 =	sld [smem:$0x3FFE];
	[sflag:s23] =	ssyncadd.s32 $0xFFFFFFFF  }
0xa6: {  	s26 =	simm.s32 $execute0_lowered;
	[smem:$0x3FD2] =	sst s25  }
0xa7: {  	s6 =	sshll.u32 s26, $0x1;
	_ =	strace $0x80000046;
	[dreg:$0x1] =	wrdreg $0xFFFFFFFF  }
0xa8: {  	s28 =	simm.s32 $_size_execute0_lowered;
	s4 =	sadd.s32 s4, s6;
	[dreg:$0x0] =	wrdreg $0x0  }
0xa9: {  	s6 =	sshll.u32 s28, $0x1;
	[dreg:$0x2] =	wrdreg s4  }
0xaa: {  	[dreg:$0x3] =	wrdreg s6  }
0xab: {  	[dreg:$0x4] =	wrdreg $0xC0  }
0xac: {  	_ =	task [dreg:s8], $0x5FFFF  }
0xad: {  	[dreg:$0x1] =	wrdreg $0xFFFFFFFF  }
0xae: {  	[dreg:$0x0] =	wrdreg $0x60  }
0xaf: {  	[dreg:$0x2] =	wrdreg s2  }
0xb0: {  	[dreg:$0x3] =	wrdreg s18  }
0xb1: {  	[dreg:$0x4] =	wrdreg s24  }
0xb2: {  	[dreg:$0x5] =	wrdreg $0xE8000  }
0xb3: {  	[dreg:$0x6] =	wrdreg $0x9  }
0xb4: {  	_ =	task.clear_ibuf [dreg:s8], $0x7FFFF;
	_ =	strace $0x90000046  }
0xb5: {  	s29 =	simm.s32 $0x9;
	_ =	strace $0x80000048  }
0xb6: {  	_ =	swait.ge [sflag:s29], $0x1  }
0xb7: {  	[sflag:s29] =	ssyncadd.s32 $0xFFFFFFFF  }
0xb8: {  	_ =	strace $0x90000048  }
0xb9: {  	_ =	sfence  }
0xba: {  	s30 =	sld [smem:$0x0];
	_ =	sdelay $0x2  }
0xbb: {  	s31 =	sshll.u32 s1, $0xD;
	s1 =	sshrl.u32 s1, $0x2  }
0xbc: {  	s3 =	sand.u32 $0x4000, s31;
	s1 =	sadd.s32 s1, s30  }
0xbd: {  	s0 =	sor.u32 s3, s0;
	s1 =	sshll.u32 s1, $0x11  }
0xbe: {  	s0 =	sor.u32 s1, s0  }
0xbf: {  	s0 =	sadd.s32 $0x8F2B, s0  }
0xc0: {  	[sflag:s0] =	ssyncadd.remote.s32 $0x1  }
0xc1: {  	_ =	sfence.sel $0xFFFF  }
0xc2: {  	[dreg:$0x0] =	wrdreg $0xFFFFFFFF;
	(pc) =	sbr.abs _section_cstart, $3  }
0xc3: {  	[dreg:$0x1] =	wrdreg $0xFFFFFFFF  }
0xc4: {  	_ =	task.clear_ibuf [dreg:s8], $0x2FFFF;
	_ =	strace $0x9FFFFFFF  }
0xc5: {  	(tm) =	ssettm $0x7FFFFFFF  }
tec
execute0_lowered:
.L_overlay_start_1:
0x0: {  	(tag) =	ssettag $0x1  }
0x1: {  	s1 =	rddreg [dreg:$0x0]  }
0x2: {  	s8 =	rddreg [dreg:$0x1]  }
0x3: {  	s6 =	rddreg [dreg:$0x2]  }
0x4: {  	s2 =	rddreg [dreg:$0x3];
	s4 =	srdreg.scid  }
0x5: {  	s0 =	rddreg [dreg:$0x4];
	s3 =	simm.s32 $0x0;
	s12 =	simm.s32 $0x4000  }
0x6: {  	s13 =	simm.s32 $0x3;
	s14 =	simm.s32 $0xE000;
	s15 =	simm.s32 $0x4  }
0x7: {  	s16 =	simm.s32 $0x80;
	s17 =	simm.s32 $0x400;
	s18 =	simm.s32 $0x2000  }
0x8: {  	s19 =	simm.s32 $0xA000;
	s20 =	simm.s32 $0x8000;
	s21 =	simm.s32 $0xC000  }
0x9: {  	s22 =	simm.s32 $0x1;
	s23 =	simm.s32 $0x2;
	s24 =	simm.s32 $0x10  }
.Ltmp0:
0xa: {  	s5 =	sand.u32 $0x1, s4;
	[smem:$0x7FF] =	sst s3;
	(pc) =	sbr.rel .LBB2_1-.Ltmp0, $4  }
0xb: {  	s4 =	stileid.u32;
	s6 =	sadd.s32 $0x400, s6;
	s7 =	ssub.s32 $0x2, s5  }
0xc: {  	_ =	strace $0x80000047;
	s10 =	sshll.u32 s4, $0xB;
	s9 =	sshrl.u32 s7, $0x1  }
0xd: {  	s8 =	sadd.s32 s8, s10;
	s10 =	sadd.s32 s10, s2;
	s11 =	ssub.s32 s7, s9  }
0xe: {  	v0 =	vimm.f32 $1.000000000e+00;
	v1 =	vimm.f32 $0.0e+00;
	s7 =	sshll.u32 s4, $0x11;
	s9 =	sshll.u32 s4, $0xE;
	s11 =	smax.u32 s11, $0x1  }
.LBB2_13:
0xf: {  	s3 =	sadd.s32 $0x1, s3  }
0x10: {  	p0 =	sne.s32 s3, s11  }
.Ltmp1:
0x11: {  	_ = 	snop;
	(pc) =	sbr.rel @!p0 .LBB2_14-.Ltmp1, $1  }
0x12: {  	_ =	sdelay $0x3  }
.LBB2_1:
0x13: {  	s25 =	simm.s32 $0x0  }
.LBB2_2:
0x14: {  	p0 =	sne.s32 s25, $0x7FC0  }
.Ltmp2:
0x15: {  	_ = 	snop;
	(pc) =	sbr.rel @p0 .LBB2_2-.Ltmp2, $3  }
0x16: {  	_ =	sdelay $0x1  }
0x17: {  	s26 =	sshra.s32 s25, $0x2  }
0x18: {  	s25 =	sadd.s32 $0x40, s25;
	[tilespmem:s26+$0x8000] =	vst v0  }
0x19: {  	s25 =	simm.s32 $0x40;
	s26 =	simm.s32 $0x0  }
.LBB2_4:
0x1a: {  	p0 =	sne.s32 s25, $0x1FC0;
	[tilespmem:s26+$0xE000] =	vst v1;
	s26 =	smov.u32 s25;
	s25 =	sadd.s32 $0x40, s25  }
.Ltmp3:
0x1b: {  	(pc) =	sbr.rel @p0 .LBB2_4-.Ltmp3, $2  }
0x1c: {  	_ =	sdelay $0x2  }
0x1d: {  	s26 =	sshra.s32 s26, $0x2  }
.Ltmp4:
0x1e: {  	[tilespmem:s26+$0xE000] =	vst v1;
	s25 =	simm.s32 $0x0;
	(pc) =	sbr.rel .LBB2_6-.Ltmp4, $4  }
0x1f: {  	[tilespmem:s12], [sflag:$0x3] =	stream.linear.gather [hbm4b:s8+s25], $0x4000, $0x38;
	[tilespmem:$0xF000] =	vst v63  }
0x20: {  	_ =	swait.ge [sflag:s13], $0x4000  }
0x21: {  	[sflag:s13] =	ssyncset.done $0x0  }
0x22: {  	[sflag:s13] =	ssyncadd.s32 $0xFFFFC000  }
.LBB2_12:
0x23: {  	s25 =	sadd.s32 $0x1, s25  }
0x24: {  	p0 =	sne.s32 s25, $0x13  }
.Ltmp5:
0x25: {  	_ = 	snop;
	(pc) =	sbr.rel @!p0 .LBB2_13-.Ltmp5, $1  }
0x26: {  	_ =	sdelay $0x3  }
.LBB2_6:
0x27: {  	s26 =	sand.u32 $0x1, s25  }
0x28: {  	p0 =	sne.s32 s26, s5  }
.Ltmp6:
0x29: {  	_ = 	snop;
	(pc) =	sbr.rel @p0 .LBB2_12-.Ltmp6, $1  }
0x2a: {  	_ =	sdelay $0x3  }
0x2b: {  	[spmem:s10] =	stream.linear.scatter [tilespmem:s14], [sflag:$0x4], $0x800, $0x38;
	[tilespmem:$0xF000] =	vst v63  }
0x2c: {  	s28 =	sshrl.u32 s25, $0x3  }
0x2d: {  	s26 =	sshll.u32 s25, $0x7;
	s29 =	sshll.u32 s28, $0x15  }
0x2e: {  	s26 =	sand.u32 $0x380, s26;
	s29 =	sor.u32 s7, s29  }
0x2f: {  	_ =	swait.ge [sflag:s15], $0x800;
	s29 =	sor.u32 s26, s29  }
0x30: {  	[sflag:s15] =	ssyncset.done $0x0;
	s29 =	sshrl.u32 s29, $0x3  }
0x31: {  	s30 =	simm.s32 $0x0;
	[sflag:s15] =	ssyncadd.s32 $0xFFFFF800;
	s29 =	sadd.s32 s1, s29  }
0x32: {  	[tilespmem:s30], [sflag:$0x4] =	stream.strided.gather [hbm4b:s29+s16], $0x4000, s17, s16, $0x38;
	[tilespmem:$0xF000] =	vst v63  }
0x33: {  	_ =	swait.ge [sflag:s15], $0x4000  }
0x34: {  	[sflag:s15] =	ssyncset.done $0x0  }
0x35: {  	s29 =	simm.s32 $0x0;
	[sflag:s15] =	ssyncadd.s32 $0xFFFFC000  }
0x36: {  	v2 =	vld [tilespmem:s29+$0x70]  }
0x37: {  	v3 =	vld [tilespmem:s29+$0x0]  }
0x38: {  	v4 =	vld [tilespmem:s29+$0x10]  }
0x39: {  	v5 =	vld [tilespmem:s29+$0x20]  }
0x3a: {  	v6 =	vld [tilespmem:s29+$0x30]  }
0x3b: {  	v7 =	vld [tilespmem:s29+$0x40]  }
0x3c: {  	v8 =	vld [tilespmem:s29+$0x50];
	v2 =	vmul.f32 $1.442695020e+00, v2  }
0x3d: {  	v9 =	vld [tilespmem:s29+$0x60];
	v3 =	vmul.f32 $1.442695020e+00, v3;
	v4 =	vmul.f32 $1.442695020e+00, v4  }
0x3e: {  	v10 =	vld [tilespmem:s29+$0x4000];
	(erf) = vpow2.f32 v2;
	v2 =	vmul.f32 $1.442695020e+00, v5  }
0x3f: {  	v5 =	vmul.f32 $1.442695020e+00, v6;
	v6 =	vld [tilespmem:s29+$0x4070];
	(erf) = vpow2.f32 v3  }
0x40: {  	(erf) = vpow2.f32 v4;
	v4 =	vmul.f32 $1.442695020e+00, v7;
	v7 =	vld [tilespmem:s29+$0x4020]  }
0x41: {  	v3 =	vld [tilespmem:s29+$0x4010]  }
0x42: {  	(erf) = vpow2.f32 v2  }
0x43: {  	v8 =	vmul.f32 $1.442695020e+00, v8;
	v2 =	vmov s25;
	(erf) = vpow2.f32 v5;
	v5 =	vld [tilespmem:s29+$0x4030]  }
0x44: {  	v9 =	vmul.f32 $1.442695020e+00, v9;
	(erf) = vpow2.f32 v4;
	v4 =	vld [tilespmem:s29+$0x4040];
	vm7 =	veq.s32 v6, v2  }
0x45: {  	(erf) = vpow2.f32 v8;
	v8 =	vld [tilespmem:s29+$0x4050];
	vm5 =	veq.s32 v7, v2;
	v7 =	vsel vm7, $0x3F800000, v1  }
0x46: {  	vm6 =	veq.s32 v10, v2;
	vm4 =	veq.s32 v3, v2;
	v3 =	vld [tilespmem:s29+$0x4060];
	(erf) = vpow2.f32 v9  }
0x47: {  	v9 =	vsel vm6, $0x3F800000, v1;
	v6 =	vsel vm4, $0x3F800000, v1;
	v10 =	vpop (erf)  }
0x48: {  	v11 =	vsel vm5, $0x3F800000, v1;
	vm3 =	veq.s32 v5, v2;
	v5 =	vsub.f32 v7, v10;
	v7 =	vpop (erf)  }
0x49: {  	vm2 =	veq.s32 v4, v2;
	v7 =	vsub.f32 v9, v7;
	v9 =	vsel vm3, $0x3F800000, v1  }
0x4a: {  	v4 =	vpop (erf);
	v10 =	vsel vm2, $0x3F800000, v1;
	vm1 =	veq.s32 v8, v2;
	v5 =	vand.u32 $0x7FFFFFFF, v5  }
0x4b: {  	vm0 =	veq.s32 v3, v2;
	v8 =	vpop (erf);
	v3 =	vshrl.u32 v5, $0xA;
	v5 =	vshrl.u32 v5, $0x18  }
0x4c: {  	v12 =	vsel vm1, $0x3F800000, v1;
	v14 =	vsel vm0, $0x3F800000, v1;
	v13 =	vpop (erf);
	v3 =	vand.u32 $0x3F80, v3  }
0x4d: {  	v4 =	vsub.f32 v6, v4;
	v8 =	vsub.f32 v11, v8;
	v15 =	vpop (erf);
	v3 =	vor.u32 v5, v3  }
0x4e: {  	v11 =	vsub.f32 v9, v13;
	v10 =	vsub.f32 v10, v15;
	v5 =	vpop (erf);
	v6 =	vor.u32 $0x4000, v3  }
0x4f: {  	v9 =	vpop (erf);
	v5 =	vsub.f32 v12, v5;
	v13 =	vsel vm7, v6, v3;
	v6 =	vand.u32 $0x7FFFFFFF, v4  }
0x50: {  	v4 =	vand.u32 $0x7FFFFFFF, v10;
	v12 =	vsub.f32 v14, v9;
	v9 =	vand.u32 $0x7FFFFFFF, v7  }
0x51: {  	v7 =	vand.u32 $0x7FFFFFFF, v8;
	v8 =	vand.u32 $0x7FFFFFFF, v11;
	v14 =	vshrl.u32 v6, $0xA  }
0x52: {  	v17 =	vshrl.u32 v4, $0xA;
	v5 =	vand.u32 $0x7FFFFFFF, v5;
	v10 =	vshrl.u32 v9, $0xA  }
0x53: {  	v16 =	vshrl.u32 v8, $0xA;
	v15 =	vand.u32 $0x3F80, v14;
	v3 =	vand.u32 $0x7FFFFFFF, v12  }
0x54: {  	v12 =	vshrl.u32 v7, $0xA;
	v11 =	vand.u32 $0x3F80, v10;
	v18 =	vshrl.u32 v5, $0xA  }
0x55: {  	v10 =	vand.u32 $0x3F80, v16;
	v16 =	vand.u32 $0x3F80, v17;
	v19 =	vshrl.u32 v3, $0xA  }
0x56: {  	s31 =	simm.s32 $0x400;
	s30 =	simm.s32 $0x80;
	[tilespmem:s29+$0xA070] =	vst v13;
	v12 =	vand.u32 $0x3F80, v12;
	v13 =	vand.u32 $0x3F80, v18;
	v14 =	vand.u32 $0x3F80, v19  }
.LBB2_8:
0x57: {  	p0 =	sne.s32 s31, $0x7E00;
	v17 =	vld [tilespmem:s30+$0x70];
	v9 =	vshrl.u32 v9, $0x18;
	v6 =	vshrl.u32 v6, $0x18;
	v7 =	vshrl.u32 v7, $0x18  }
0x58: {  	v8 =	vshrl.u32 v8, $0x18;
	v4 =	vshrl.u32 v4, $0x18;
	v5 =	vshrl.u32 v5, $0x18;
	v18 =	vld [tilespmem:s30+$0x0]  }
0x59: {  	v3 =	vshrl.u32 v3, $0x18;
	v9 =	vor.u32 v9, v11;
	v6 =	vor.u32 v6, v15;
	v19 =	vld [tilespmem:s30+$0x10]  }
0x5a: {  	v7 =	vor.u32 v7, v12;
	v8 =	vor.u32 v8, v10;
	v4 =	vor.u32 v4, v16;
	v11 =	vld [tilespmem:s30+$0x20]  }
0x5b: {  	v5 =	vor.u32 v5, v13;
	v3 =	vor.u32 v3, v14;
	v12 =	vor.u32 $0x4000, v9;
	v10 =	vld [tilespmem:s30+$0x30]  }
0x5c: {  	v15 =	vor.u32 $0x4000, v6;
	v16 =	vor.u32 $0x4000, v7;
	v13 =	vld [tilespmem:s30+$0x40];
	v14 =	vmul.f32 $1.442695020e+00, v17  }
0x5d: {  	v20 =	vor.u32 $0x4000, v8;
	v21 =	vor.u32 $0x4000, v4;
	v17 =	vmul.f32 $1.442695020e+00, v18;
	v18 =	vld [tilespmem:s30+$0x50]  }
0x5e: {  	v19 =	vmul.f32 $1.442695020e+00, v19;
	v22 =	vld [tilespmem:s30+$0x60];
	(erf) = vpow2.f32 v14;
	v14 =	vor.u32 $0x4000, v5  }
0x5f: {  	v23 =	vld [tilespmem:s30+$0x4000];
	v11 =	vmul.f32 $1.442695020e+00, v11;
	(erf) = vpow2.f32 v17;
	v17 =	vor.u32 $0x4000, v3  }
0x60: {  	v9 =	vsel vm6, v12, v9;
	v24 =	vld [tilespmem:s30+$0x4010];
	v10 =	vmul.f32 $1.442695020e+00, v10;
	(erf) = vpow2.f32 v19  }
0x61: {  	v6 =	vsel vm4, v15, v6;
	v12 =	vmul.f32 $1.442695020e+00, v13;
	v13 =	vld [tilespmem:s30+$0x4070];
	(erf) = vpow2.f32 v11;
	[tilespmem:s29+$0xA000] =	vst v9  }
0x62: {  	v9 =	vld [tilespmem:s30+$0x4020];
	v11 =	vmul.f32 $1.442695020e+00, v18;
	(erf) = vpow2.f32 v10;
	[tilespmem:s29+$0xA010] =	vst v6;
	v6 =	vsel vm5, v16, v7  }
0x63: {  	v7 =	vld [tilespmem:s30+$0x4030];
	v10 =	vmul.f32 $1.442695020e+00, v22;
	(erf) = vpow2.f32 v12;
	[tilespmem:s29+$0xA020] =	vst v6;
	v6 =	vsel vm3, v20, v8  }
0x64: {  	v4 =	vsel vm2, v21, v4;
	vm6 =	veq.s32 v23, v2;
	v8 =	vld [tilespmem:s30+$0x4040];
	(erf) = vpow2.f32 v11;
	[tilespmem:s29+$0xA030] =	vst v6  }
0x65: {  	v6 =	vsel vm6, $0x3F800000, v1;
	vm4 =	veq.s32 v24, v2;
	v11 =	vld [tilespmem:s30+$0x4050];
	(erf) = vpow2.f32 v10;
	[tilespmem:s29+$0xA040] =	vst v4  }
0x66: {  	v5 =	vsel vm1, v14, v5;
	v4 =	vsel vm4, $0x3F800000, v1;
	v10 =	vld [tilespmem:s30+$0x4060];
	vm7 =	veq.s32 v13, v2  }
0x67: {  	v3 =	vsel vm0, v17, v3;
	vm5 =	veq.s32 v9, v2;
	v13 =	vsel vm7, $0x3F800000, v1;
	v12 =	vpop (erf);
	[tilespmem:s29+$0xA050] =	vst v5  }
0x68: {  	v5 =	vsel vm5, $0x3F800000, v1;
	vm3 =	veq.s32 v7, v2;
	v7 =	vsub.f32 v13, v12;
	v9 =	vpop (erf);
	[tilespmem:s29+$0xA060] =	vst v3;
	s29 =	smov.u32 s30  }
0x69: {  	v3 =	vsub.f32 v6, v9;
	v6 =	vsel vm3, $0x3F800000, v1;
	vm2 =	veq.s32 v8, v2;
	v8 =	vpop (erf)  }
0x6a: {  	v9 =	vsel vm2, $0x3F800000, v1;
	vm1 =	veq.s32 v11, v2;
	v7 =	vand.u32 $0x7FFFFFFF, v7;
	v11 =	vpop (erf)  }
0x6b: {  	v12 =	vsel vm1, $0x3F800000, v1;
	vm0 =	veq.s32 v10, v2;
	v10 =	vshrl.u32 v7, $0xA;
	v13 =	vpop (erf)  }
0x6c: {  	v7 =	vshrl.u32 v7, $0x18;
	v14 =	vsel vm0, $0x3F800000, v1;
	v10 =	vand.u32 $0x3F80, v10;
	v15 =	vpop (erf)  }
0x6d: {  	v4 =	vsub.f32 v4, v8;
	v5 =	vsub.f32 v5, v11;
	v7 =	vor.u32 v7, v10;
	v8 =	vpop (erf)  }
0x6e: {  	v10 =	vsub.f32 v6, v13;
	v11 =	vsub.f32 v9, v15;
	v6 =	vor.u32 $0x4000, v7;
	v9 =	vpop (erf)  }
0x6f: {  	v12 =	vsub.f32 v12, v8;
	v13 =	vsub.f32 v14, v9;
	v8 =	vsel vm7, v6, v7  }
0x70: {  	v9 =	vand.u32 $0x7FFFFFFF, v3;
	v6 =	vand.u32 $0x7FFFFFFF, v4;
	v7 =	vand.u32 $0x7FFFFFFF, v5;
	[tilespmem:s29+$0xA070] =	vst v8  }
0x71: {  	v4 =	vand.u32 $0x7FFFFFFF, v11;
	v8 =	vand.u32 $0x7FFFFFFF, v10;
	v5 =	vand.u32 $0x7FFFFFFF, v12  }
.Ltmp7:
0x72: {  	v10 =	vshrl.u32 v9, $0xA;
	v12 =	vshrl.u32 v6, $0xA;
	v3 =	vand.u32 $0x7FFFFFFF, v13;
	(pc) =	sbr.rel @p0 .LBB2_8-.Ltmp7, $4  }
0x73: {  	v16 =	vshrl.u32 v4, $0xA;
	v13 =	vshrl.u32 v7, $0xA;
	v14 =	vshrl.u32 v8, $0xA  }
0x74: {  	v11 =	vand.u32 $0x3F80, v10;
	v17 =	vshrl.u32 v5, $0xA;
	v18 =	vshrl.u32 v3, $0xA  }
0x75: {  	v15 =	vand.u32 $0x3F80, v12;
	v12 =	vand.u32 $0x3F80, v13;
	v10 =	vand.u32 $0x3F80, v14  }
0x76: {  	s30 =	sshra.s32 s31, $0x2;
	s31 =	sadd.s32 $0x200, s31;
	v16 =	vand.u32 $0x3F80, v16;
	v13 =	vand.u32 $0x3F80, v17;
	v14 =	vand.u32 $0x3F80, v18  }
0x77: {  	v17 =	vld [tilespmem:s30+$0x70]  }
0x78: {  	v18 =	vld [tilespmem:s30+$0x0]  }
0x79: {  	v19 =	vld [tilespmem:s30+$0x10]  }
0x7a: {  	v20 =	vld [tilespmem:s30+$0x20];
	v9 =	vshrl.u32 v9, $0x18  }
0x7b: {  	v21 =	vld [tilespmem:s30+$0x30];
	v6 =	vshrl.u32 v6, $0x18;
	v7 =	vshrl.u32 v7, $0x18;
	v8 =	vshrl.u32 v8, $0x18  }
0x7c: {  	v22 =	vld [tilespmem:s30+$0x40];
	v4 =	vshrl.u32 v4, $0x18;
	v5 =	vshrl.u32 v5, $0x18;
	v3 =	vshrl.u32 v3, $0x18  }
0x7d: {  	v23 =	vld [tilespmem:s30+$0x50];
	v9 =	vor.u32 v9, v11;
	v6 =	vor.u32 v6, v15;
	v7 =	vor.u32 v7, v12  }
0x7e: {  	v11 =	vld [tilespmem:s30+$0x60];
	v8 =	vor.u32 v8, v10;
	v4 =	vor.u32 v4, v16;
	v5 =	vor.u32 v5, v13  }
0x7f: {  	v15 =	vld [tilespmem:s30+$0x4010];
	v3 =	vor.u32 v3, v14;
	v10 =	vor.u32 $0x4000, v9;
	v14 =	vor.u32 $0x4000, v6  }
0x80: {  	v12 =	vld [tilespmem:s30+$0x4000];
	v16 =	vor.u32 $0x4000, v7;
	v9 =	vsel vm6, v10, v9;
	v13 =	vmul.f32 $1.442695020e+00, v17  }
0x81: {  	v10 =	vld [tilespmem:s30+$0x4070];
	v6 =	vsel vm4, v14, v6;
	v7 =	vsel vm5, v16, v7;
	[tilespmem:s29+$0xA000] =	vst v9;
	v9 =	vmul.f32 $1.442695020e+00, v18  }
0x82: {  	v17 =	vor.u32 $0x4000, v8;
	v19 =	vmul.f32 $1.442695020e+00, v19;
	(erf) = vpow2.f32 v13  }
0x83: {  	v14 =	vld [tilespmem:s30+$0x4020];
	v18 =	vor.u32 $0x4000, v4;
	[tilespmem:s29+$0xA010] =	vst v6;
	v6 =	vmul.f32 $1.442695020e+00, v20;
	v16 =	vmul.f32 $1.442695020e+00, v21  }
0x84: {  	v4 =	vsel vm2, v18, v4;
	vm2 =	veq.s32 v15, v2;
	(erf) = vpow2.f32 v9  }
0x85: {  	v13 =	vor.u32 $0x4000, v5;
	v9 =	vld [tilespmem:s30+$0x4030];
	[tilespmem:s29+$0xA020] =	vst v7;
	v7 =	vmul.f32 $1.442695020e+00, v22;
	(erf) = vpow2.f32 v19  }
0x86: {  	vm7 =	veq.s32 v10, v2;
	(erf) = vpow2.f32 v6;
	v6 =	vsel vm3, v17, v8  }
0x87: {  	v5 =	vsel vm1, v13, v5;
	v19 =	vmul.f32 $1.442695020e+00, v23;
	v8 =	vld [tilespmem:s30+$0x4040];
	(erf) = vpow2.f32 v16;
	[tilespmem:s29+$0xA030] =	vst v6  }
0x88: {  	v10 =	vsel vm7, $0x3F800000, v1;
	v17 =	vor.u32 $0x4000, v3;
	(erf) = vpow2.f32 v7;
	v7 =	vld [tilespmem:s30+$0x4050];
	[tilespmem:s29+$0xA040] =	vst v4  }
0x89: {  	vm3 =	veq.s32 v12, v2;
	vm1 =	veq.s32 v14, v2;
	v6 =	vmul.f32 $1.442695020e+00, v11;
	v11 =	vld [tilespmem:s30+$0x4060]  }
0x8a: {  	v3 =	vsel vm0, v17, v3;
	v13 =	vsel vm1, $0x3F800000, v1;
	(erf) = vpow2.f32 v19  }
0x8b: {  	v4 =	vsel vm3, $0x3F800000, v1;
	vm4 =	veq.s32 v9, v2;
	(erf) = vpow2.f32 v6;
	v12 =	vpop (erf)  }
0x8c: {  	v6 =	vsel vm2, $0x3F800000, v1;
	vm0 =	veq.s32 v8, v2;
	v9 =	vsub.f32 v10, v12  }
0x8d: {  	v8 =	vsel vm4, $0x3F800000, v1;
	v10 =	vpop (erf);
	v12 =	vsel vm0, $0x3F800000, v1;
	vm5 =	veq.s32 v7, v2  }
0x8e: {  	v4 =	vsub.f32 v4, v10;
	vm6 =	veq.s32 v11, v2;
	v7 =	vand.u32 $0x7FFFFFFF, v9  }
0x8f: {  	v10 =	vpop (erf);
	v11 =	vsel vm5, $0x3F800000, v1;
	v16 =	vsel vm6, $0x3F800000, v1;
	v14 =	vshrl.u32 v7, $0xA  }
0x90: {  	v6 =	vsub.f32 v6, v10;
	v7 =	vshrl.u32 v7, $0x18;
	v9 =	vpop (erf);
	v14 =	vand.u32 $0x3F80, v14  }
0x91: {  	v4 =	vand.u32 $0x7FFFFFFF, v4;
	v15 =	vpop (erf);
	v9 =	vsub.f32 v13, v9;
	v7 =	vor.u32 v7, v14  }
0x92: {  	v6 =	vand.u32 $0x7FFFFFFF, v6;
	v17 =	vpop (erf);
	v8 =	vsub.f32 v8, v15;
	v13 =	vor.u32 $0x4000, v7  }
0x93: {  	v10 =	vpop (erf);
	v12 =	vsub.f32 v12, v17;
	v7 =	vsel vm7, v13, v7;
	v9 =	vand.u32 $0x7FFFFFFF, v9  }
0x94: {  	v13 =	vshrl.u32 v4, $0xA;
	v4 =	vshrl.u32 v4, $0x18;
	v10 =	vsub.f32 v11, v10  }
0x95: {  	v14 =	vpop (erf);
	v8 =	vand.u32 $0x7FFFFFFF, v8;
	v15 =	vshrl.u32 v9, $0xA;
	v13 =	vand.u32 $0x3F80, v13  }
0x96: {  	v9 =	vshrl.u32 v9, $0x18;
	v11 =	vsub.f32 v16, v14;
	v12 =	vand.u32 $0x7FFFFFFF, v12  }
0x97: {  	v14 =	vshrl.u32 v6, $0xA;
	v16 =	vshrl.u32 v8, $0xA;
	v15 =	vand.u32 $0x3F80, v15  }
0x98: {  	[tilespmem:s29+$0xA050] =	vst v5;
	v6 =	vshrl.u32 v6, $0x18;
	v8 =	vshrl.u32 v8, $0x18;
	v4 =	vor.u32 v4, v13  }
0x99: {  	[tilespmem:s29+$0xA060] =	vst v3;
	v10 =	vand.u32 $0x7FFFFFFF, v10;
	v17 =	vshrl.u32 v12, $0xA;
	v14 =	vand.u32 $0x3F80, v14  }
0x9a: {  	[tilespmem:s30+$0xA070] =	vst v7;
	v16 =	vand.u32 $0x3F80, v16;
	v5 =	vshrl.u32 v12, $0x18;
	v7 =	vor.u32 v9, v15  }
0x9b: {  	v11 =	vand.u32 $0x7FFFFFFF, v11;
	v18 =	vshrl.u32 v10, $0xA;
	v17 =	vand.u32 $0x3F80, v17  }
0x9c: {  	v10 =	vshrl.u32 v10, $0x18;
	v3 =	vor.u32 v6, v14;
	v8 =	vor.u32 v8, v16  }
0x9d: {  	v19 =	vshrl.u32 v11, $0xA;
	v6 =	vshrl.u32 v11, $0x18;
	v11 =	vor.u32 $0x4000, v4  }
0x9e: {  	v18 =	vand.u32 $0x3F80, v18;
	v9 =	vor.u32 $0x4000, v3;
	v4 =	vsel vm3, v11, v4  }
0x9f: {  	v19 =	vand.u32 $0x3F80, v19;
	v11 =	vor.u32 $0x4000, v7;
	v3 =	vsel vm2, v9, v3;
	[tilespmem:s30+$0xA000] =	vst v4  }
0xa0: {  	v4 =	vor.u32 v5, v17;
	v5 =	vor.u32 $0x4000, v8;
	[tilespmem:s30+$0xA010] =	vst v3;
	v3 =	vsel vm1, v11, v7  }
0xa1: {  	v7 =	vor.u32 v10, v18;
	v9 =	vor.u32 $0x4000, v4;
	[tilespmem:s30+$0xA020] =	vst v3;
	v3 =	vsel vm4, v5, v8  }
0xa2: {  	v5 =	vor.u32 v6, v19;
	v6 =	vor.u32 $0x4000, v7;
	[tilespmem:s30+$0xA030] =	vst v3;
	v3 =	vsel vm0, v9, v4  }
0xa3: {  	v4 =	vor.u32 $0x4000, v5;
	[tilespmem:s30+$0xA040] =	vst v3;
	v3 =	vsel vm5, v6, v7  }
0xa4: {  	[tilespmem:s30+$0xA050] =	vst v3;
	v3 =	vsel vm6, v4, v5  }
0xa5: {  	[tilespmem:s30+$0xA060] =	vst v3  }
0xa6: {  	s29 =	simm.s32 $0x0;
	[bflag:$0x0] =	sbarrier.arrive $0xFFFF  }
0xa7: {  	[spmem:s2] =	stream.indirect.scatter.add.f32 [tilespmem:s20], [sflag:$0x1], $0x1, s19, s18, $0xb8;
	[tilespmem:$0xF000] =	vst v63  }
0xa8: {  	v3 =	vld [tilespmem:s29+$0x2070]  }
0xa9: {  	v4 =	vld [tilespmem:s29+$0x2000]  }
0xaa: {  	v5 =	vld [tilespmem:s29+$0x2010]  }
0xab: {  	v6 =	vld [tilespmem:s29+$0x2020]  }
0xac: {  	v7 =	vld [tilespmem:s29+$0x2030]  }
0xad: {  	v8 =	vld [tilespmem:s29+$0x2040];
	v3 =	vmul.f32 $1.442695020e+00, v3  }
0xae: {  	v9 =	vld [tilespmem:s29+$0x2050]  }
0xaf: {  	v10 =	vld [tilespmem:s29+$0x2060];
	v4 =	vmul.f32 $1.442695020e+00, v4;
	(erf) = vpow2.f32 v3  }
0xb0: {  	v5 =	vmul.f32 $1.442695020e+00, v5;
	v6 =	vmul.f32 $1.442695020e+00, v6;
	v3 =	vld [tilespmem:s29+$0x6000]  }
0xb1: {  	v7 =	vmul.f32 $1.442695020e+00, v7;
	(erf) = vpow2.f32 v4;
	v4 =	vld [tilespmem:s29+$0x6010]  }
0xb2: {  	(erf) = vpow2.f32 v5;
	v5 =	vmul.f32 $1.442695020e+00, v8;
	v8 =	vld [tilespmem:s29+$0x6070]  }
0xb3: {  	(erf) = vpow2.f32 v6;
	v6 =	vld [tilespmem:s29+$0x6020]  }
0xb4: {  	v10 =	vmul.f32 $1.442695020e+00, v10;
	(erf) = vpow2.f32 v7;
	v7 =	vld [tilespmem:s29+$0x6030]  }
0xb5: {  	v9 =	vmul.f32 $1.442695020e+00, v9;
	(erf) = vpow2.f32 v5;
	v5 =	vld [tilespmem:s29+$0x6040]  }
0xb6: {  	vm6 =	veq.s32 v3, v2;
	v3 =	vld [tilespmem:s29+$0x6050]  }
0xb7: {  	(erf) = vpow2.f32 v9;
	vm4 =	veq.s32 v4, v2;
	v4 =	vld [tilespmem:s29+$0x6060];
	vm7 =	veq.s32 v8, v2  }
0xb8: {  	(erf) = vpow2.f32 v10;
	vm5 =	veq.s32 v6, v2;
	v6 =	vsel vm7, $0x3F800000, v1;
	v10 =	vpop (erf)  }
0xb9: {  	v6 =	vsub.f32 v6, v10  }
0xba: {  	v9 =	vsel vm6, $0x3F800000, v1  }
0xbb: {  	vm3 =	veq.s32 v7, v2;
	v7 =	vpop (erf);
	vm1 =	veq.s32 v3, v2;
	v3 =	vand.u32 $0x7FFFFFFF, v6  }
0xbc: {  	vm2 =	veq.s32 v5, v2;
	v5 =	vpop (erf);
	vm0 =	veq.s32 v4, v2;
	v4 =	vshrl.u32 v3, $0xA  }
0xbd: {  	v8 =	vsel vm4, $0x3F800000, v1;
	v11 =	vsel vm5, $0x3F800000, v1;
	v6 =	vpop (erf);
	v4 =	vand.u32 $0x3F80, v4  }
0xbe: {  	v7 =	vsub.f32 v9, v7;
	v9 =	vsel vm3, $0x3F800000, v1;
	v10 =	vsel vm2, $0x3F800000, v1;
	v13 =	vpop (erf)  }
0xbf: {  	v12 =	vsel vm1, $0x3F800000, v1;
	v14 =	vsel vm0, $0x3F800000, v1;
	v3 =	vshrl.u32 v3, $0x18;
	v15 =	vpop (erf)  }
0xc0: {  	v5 =	vsub.f32 v8, v5;
	v8 =	vsub.f32 v11, v6;
	v3 =	vor.u32 v3, v4;
	v4 =	vpop (erf)  }
0xc1: {  	v11 =	vsub.f32 v9, v13;
	v6 =	vor.u32 $0x4000, v3;
	v10 =	vsub.f32 v10, v15;
	v9 =	vpop (erf)  }
0xc2: {  	v12 =	vsub.f32 v12, v4;
	v13 =	vsub.f32 v14, v9;
	v14 =	vsel vm7, v6, v3  }
0xc3: {  	v9 =	vand.u32 $0x7FFFFFFF, v7;
	v6 =	vand.u32 $0x7FFFFFFF, v5;
	v7 =	vand.u32 $0x7FFFFFFF, v8  }
0xc4: {  	v8 =	vand.u32 $0x7FFFFFFF, v11;
	v4 =	vand.u32 $0x7FFFFFFF, v10;
	v5 =	vand.u32 $0x7FFFFFFF, v12  }
0xc5: {  	v10 =	vshrl.u32 v9, $0xA;
	v12 =	vshrl.u32 v6, $0xA;
	v16 =	vshrl.u32 v8, $0xA  }
0xc6: {  	v17 =	vshrl.u32 v4, $0xA;
	v3 =	vand.u32 $0x7FFFFFFF, v13;
	v13 =	vshrl.u32 v7, $0xA  }
0xc7: {  	v11 =	vand.u32 $0x3F80, v10;
	v18 =	vshrl.u32 v5, $0xA;
	v15 =	vand.u32 $0x3F80, v12  }
0xc8: {  	v10 =	vand.u32 $0x3F80, v16;
	v16 =	vand.u32 $0x3F80, v17;
	v19 =	vshrl.u32 v3, $0xA  }
0xc9: {  	s31 =	simm.s32 $0x400;
	s30 =	simm.s32 $0x80;
	[tilespmem:s29+$0xC070] =	vst v14;
	v12 =	vand.u32 $0x3F80, v13;
	v13 =	vand.u32 $0x3F80, v18;
	v14 =	vand.u32 $0x3F80, v19  }
.LBB2_10:
0xca: {  	p0 =	sne.s32 s31, $0x7E00;
	v17 =	vld [tilespmem:s30+$0x2070];
	v9 =	vshrl.u32 v9, $0x18;
	v6 =	vshrl.u32 v6, $0x18;
	v7 =	vshrl.u32 v7, $0x18  }
0xcb: {  	v8 =	vshrl.u32 v8, $0x18;
	v4 =	vshrl.u32 v4, $0x18;
	v5 =	vshrl.u32 v5, $0x18;
	v18 =	vld [tilespmem:s30+$0x2000]  }
0xcc: {  	v3 =	vshrl.u32 v3, $0x18;
	v9 =	vor.u32 v9, v11;
	v6 =	vor.u32 v6, v15;
	v19 =	vld [tilespmem:s30+$0x2010]  }
0xcd: {  	v7 =	vor.u32 v7, v12;
	v8 =	vor.u32 v8, v10;
	v4 =	vor.u32 v4, v16;
	v11 =	vld [tilespmem:s30+$0x2020]  }
0xce: {  	v5 =	vor.u32 v5, v13;
	v3 =	vor.u32 v3, v14;
	v12 =	vor.u32 $0x4000, v9;
	v10 =	vld [tilespmem:s30+$0x2030]  }
0xcf: {  	v15 =	vor.u32 $0x4000, v6;
	v16 =	vor.u32 $0x4000, v7;
	v13 =	vld [tilespmem:s30+$0x2040];
	v14 =	vmul.f32 $1.442695020e+00, v17  }
0xd0: {  	v20 =	vor.u32 $0x4000, v8;
	v21 =	vor.u32 $0x4000, v4;
	v17 =	vmul.f32 $1.442695020e+00, v18;
	v18 =	vld [tilespmem:s30+$0x2050]  }
0xd1: {  	v19 =	vmul.f32 $1.442695020e+00, v19;
	v22 =	vld [tilespmem:s30+$0x2060];
	(erf) = vpow2.f32 v14;
	v14 =	vor.u32 $0x4000, v5  }
0xd2: {  	v23 =	vld [tilespmem:s30+$0x6000];
	v11 =	vmul.f32 $1.442695020e+00, v11;
	(erf) = vpow2.f32 v17;
	v17 =	vor.u32 $0x4000, v3  }
0xd3: {  	v9 =	vsel vm6, v12, v9;
	v24 =	vld [tilespmem:s30+$0x6010];
	v10 =	vmul.f32 $1.442695020e+00, v10;
	(erf) = vpow2.f32 v19  }
0xd4: {  	v6 =	vsel vm4, v15, v6;
	v12 =	vmul.f32 $1.442695020e+00, v13;
	v13 =	vld [tilespmem:s30+$0x6070];
	(erf) = vpow2.f32 v11;
	[tilespmem:s29+$0xC000] =	vst v9  }
0xd5: {  	v9 =	vld [tilespmem:s30+$0x6020];
	v11 =	vmul.f32 $1.442695020e+00, v18;
	(erf) = vpow2.f32 v10;
	[tilespmem:s29+$0xC010] =	vst v6;
	v6 =	vsel vm5, v16, v7  }
0xd6: {  	v7 =	vld [tilespmem:s30+$0x6030];
	v10 =	vmul.f32 $1.442695020e+00, v22;
	(erf) = vpow2.f32 v12;
	[tilespmem:s29+$0xC020] =	vst v6;
	v6 =	vsel vm3, v20, v8  }
0xd7: {  	v4 =	vsel vm2, v21, v4;
	vm6 =	veq.s32 v23, v2;
	v8 =	vld [tilespmem:s30+$0x6040];
	(erf) = vpow2.f32 v11;
	[tilespmem:s29+$0xC030] =	vst v6  }
0xd8: {  	v6 =	vsel vm6, $0x3F800000, v1;
	vm4 =	veq.s32 v24, v2;
	v11 =	vld [tilespmem:s30+$0x6050];
	(erf) = vpow2.f32 v10;
	[tilespmem:s29+$0xC040] =	vst v4  }
0xd9: {  	v5 =	vsel vm1, v14, v5;
	v4 =	vsel vm4, $0x3F800000, v1;
	v10 =	vld [tilespmem:s30+$0x6060];
	vm7 =	veq.s32 v13, v2  }
0xda: {  	v3 =	vsel vm0, v17, v3;
	vm5 =	veq.s32 v9, v2;
	v13 =	vsel vm7, $0x3F800000, v1;
	v12 =	vpop (erf);
	[tilespmem:s29+$0xC050] =	vst v5  }
0xdb: {  	v5 =	vsel vm5, $0x3F800000, v1;
	vm3 =	veq.s32 v7, v2;
	v7 =	vsub.f32 v13, v12;
	v9 =	vpop (erf);
	[tilespmem:s29+$0xC060] =	vst v3;
	s29 =	smov.u32 s30  }
0xdc: {  	v3 =	vsub.f32 v6, v9;
	v6 =	vsel vm3, $0x3F800000, v1;
	vm2 =	veq.s32 v8, v2;
	v8 =	vpop (erf)  }
0xdd: {  	v9 =	vsel vm2, $0x3F800000, v1;
	vm1 =	veq.s32 v11, v2;
	v7 =	vand.u32 $0x7FFFFFFF, v7;
	v11 =	vpop (erf)  }
0xde: {  	v12 =	vsel vm1, $0x3F800000, v1;
	vm0 =	veq.s32 v10, v2;
	v10 =	vshrl.u32 v7, $0xA;
	v13 =	vpop (erf)  }
0xdf: {  	v7 =	vshrl.u32 v7, $0x18;
	v14 =	vsel vm0, $0x3F800000, v1;
	v10 =	vand.u32 $0x3F80, v10;
	v15 =	vpop (erf)  }
0xe0: {  	v4 =	vsub.f32 v4, v8;
	v5 =	vsub.f32 v5, v11;
	v7 =	vor.u32 v7, v10;
	v8 =	vpop (erf)  }
0xe1: {  	v10 =	vsub.f32 v6, v13;
	v11 =	vsub.f32 v9, v15;
	v6 =	vor.u32 $0x4000, v7;
	v9 =	vpop (erf)  }
0xe2: {  	v12 =	vsub.f32 v12, v8;
	v13 =	vsub.f32 v14, v9;
	v8 =	vsel vm7, v6, v7  }
0xe3: {  	v9 =	vand.u32 $0x7FFFFFFF, v3;
	v6 =	vand.u32 $0x7FFFFFFF, v4;
	v7 =	vand.u32 $0x7FFFFFFF, v5;
	[tilespmem:s29+$0xC070] =	vst v8  }
0xe4: {  	v4 =	vand.u32 $0x7FFFFFFF, v11;
	v8 =	vand.u32 $0x7FFFFFFF, v10;
	v5 =	vand.u32 $0x7FFFFFFF, v12  }
.Ltmp8:
0xe5: {  	v10 =	vshrl.u32 v9, $0xA;
	v12 =	vshrl.u32 v6, $0xA;
	v3 =	vand.u32 $0x7FFFFFFF, v13;
	(pc) =	sbr.rel @p0 .LBB2_10-.Ltmp8, $4  }
0xe6: {  	v16 =	vshrl.u32 v4, $0xA;
	v13 =	vshrl.u32 v7, $0xA;
	v14 =	vshrl.u32 v8, $0xA  }
0xe7: {  	v11 =	vand.u32 $0x3F80, v10;
	v17 =	vshrl.u32 v5, $0xA;
	v18 =	vshrl.u32 v3, $0xA  }
0xe8: {  	v15 =	vand.u32 $0x3F80, v12;
	v12 =	vand.u32 $0x3F80, v13;
	v10 =	vand.u32 $0x3F80, v14  }
0xe9: {  	s30 =	sshra.s32 s31, $0x2;
	s31 =	sadd.s32 $0x200, s31;
	v16 =	vand.u32 $0x3F80, v16;
	v13 =	vand.u32 $0x3F80, v17;
	v14 =	vand.u32 $0x3F80, v18  }
0xea: {  	v17 =	vld [tilespmem:s30+$0x2070]  }
0xeb: {  	v18 =	vld [tilespmem:s30+$0x2000];
	v9 =	vshrl.u32 v9, $0x18  }
0xec: {  	v19 =	vld [tilespmem:s30+$0x2010];
	v6 =	vshrl.u32 v6, $0x18;
	v7 =	vshrl.u32 v7, $0x18;
	v8 =	vshrl.u32 v8, $0x18  }
0xed: {  	v20 =	vld [tilespmem:s30+$0x2020];
	v4 =	vshrl.u32 v4, $0x18;
	v5 =	vshrl.u32 v5, $0x18;
	v3 =	vshrl.u32 v3, $0x18  }
0xee: {  	v21 =	vld [tilespmem:s30+$0x2030];
	v9 =	vor.u32 v9, v11;
	v6 =	vor.u32 v6, v15;
	v7 =	vor.u32 v7, v12  }
0xef: {  	v22 =	vld [tilespmem:s30+$0x2040];
	v8 =	vor.u32 v8, v10;
	v4 =	vor.u32 v4, v16;
	v5 =	vor.u32 v5, v13  }
0xf0: {  	v23 =	vld [tilespmem:s30+$0x2050];
	v3 =	vor.u32 v3, v14;
	v46 =	vor.u32 $0x4000, v9;
	v50 =	vor.u32 $0x4000, v6  }
0xf1: {  	v44 =	vld [tilespmem:s30+$0x2060];
	v51 =	vor.u32 $0x4000, v7;
	v53 =	vor.u32 $0x4000, v8;
	v55 =	vor.u32 $0x4000, v4  }
0xf2: {  	v45 =	vld [tilespmem:s30+$0x6000];
	v58 =	vor.u32 $0x4000, v5;
	v63 =	vor.u32 $0x4000, v3;
	v49 =	vmul.f32 $1.442695020e+00, v17  }
0xf3: {  	v47 =	vld [tilespmem:s30+$0x6010];
	v9 =	vsel vm6, v46, v9;
	v6 =	vsel vm4, v50, v6;
	v52 =	vmul.f32 $1.442695020e+00, v18  }
0xf4: {  	v48 =	vld [tilespmem:s30+$0x6070];
	v7 =	vsel vm5, v51, v7;
	[tilespmem:s29+$0xC000] =	vst v9;
	v19 =	vmul.f32 $1.442695020e+00, v19;
	(erf) = vpow2.f32 v49  }
0xf5: {  	v61 =	vsel vm3, v53, v8;
	v54 =	vld [tilespmem:s30+$0x6020];
	[tilespmem:s29+$0xC010] =	vst v6;
	v56 =	vmul.f32 $1.442695020e+00, v20;
	(erf) = vpow2.f32 v52  }
0xf6: {  	v4 =	vsel vm2, v55, v4;
	v59 =	vmul.f32 $1.442695020e+00, v21;
	v57 =	vld [tilespmem:s30+$0x6030];
	[tilespmem:s29+$0xC020] =	vst v7;
	(erf) = vpow2.f32 v19  }
0xf7: {  	v5 =	vsel vm1, v58, v5;
	v60 =	vmul.f32 $1.442695020e+00, v22;
	v62 =	vld [tilespmem:s30+$0x6040];
	[tilespmem:s29+$0xC030] =	vst v61;
	(erf) = vpow2.f32 v56  }
0xf8: {  	v3 =	vsel vm0, v63, v3;
	v21 =	vmul.f32 $1.442695020e+00, v23;
	v23 =	vld [tilespmem:s30+$0x6050];
	[tilespmem:s29+$0xC040] =	vst v4;
	(erf) = vpow2.f32 v59  }
0xf9: {  	v22 =	vmul.f32 $1.442695020e+00, v44;
	vm9 =	veq.s32 v45, v2;
	vm10 =	veq.s32 v47, v2;
	v26 =	vld [tilespmem:s30+$0x6060]  }
0xfa: {  	vm7 =	veq.s32 v48, v2;
	v24 =	vsel vm9, $0x3F800000, v1;
	(erf) = vpow2.f32 v60  }
0xfb: {  	v25 =	vsel vm10, $0x3F800000, v1;
	v10 =	vsel vm7, $0x3F800000, v1;
	vm11 =	veq.s32 v54, v2  }
0xfc: {  	v28 =	vsel vm11, $0x3F800000, v1;
	vm12 =	veq.s32 v57, v2;
	(erf) = vpow2.f32 v21  }
0xfd: {  	vm13 =	veq.s32 v62, v2;
	v31 =	vsel vm12, $0x3F800000, v1;
	vm14 =	veq.s32 v23, v2;
	v27 =	vpop (erf)  }
0xfe: {  	(erf) = vpow2.f32 v22;
	vm15 =	veq.s32 v26, v2;
	v29 =	vsub.f32 v10, v27;
	v30 =	vpop (erf)  }
0xff: {  	v33 =	vsel vm13, $0x3F800000, v1;
	v2 =	vsel vm14, $0x3F800000, v1;
	v38 =	vsel vm15, $0x3F800000, v1;
	v32 =	vpop (erf)  }
0x100: {  	v4 =	vsub.f32 v24, v30;
	v34 =	vand.u32 $0x7FFFFFFF, v29;
	v35 =	vpop (erf);
	v6 =	vsub.f32 v25, v32  }
0x101: {  	v36 =	vshrl.u32 v34, $0xA;
	v37 =	vpop (erf);
	v7 =	vshrl.u32 v34, $0x18;
	v9 =	vsub.f32 v28, v35  }
0x102: {  	v4 =	vand.u32 $0x7FFFFFFF, v4;
	v11 =	vand.u32 $0x3F80, v36;
	v8 =	vsub.f32 v31, v37  }
0x103: {  	v39 =	vpop (erf);
	v6 =	vand.u32 $0x7FFFFFFF, v6;
	v45 =	vshrl.u32 v4, $0xA;
	v4 =	vshrl.u32 v4, $0x18  }
0x104: {  	v7 =	vor.u32 v7, v11;
	v41 =	vsub.f32 v33, v39;
	v9 =	vand.u32 $0x7FFFFFFF, v9  }
0x105: {  	v40 =	vpop (erf);
	v46 =	vshrl.u32 v6, $0xA;
	v12 =	vand.u32 $0x3F80, v45;
	v6 =	vshrl.u32 v6, $0x18  }
0x106: {  	v42 =	vor.u32 $0x4000, v7;
	v2 =	vsub.f32 v2, v40;
	v8 =	vand.u32 $0x7FFFFFFF, v8  }
0x107: {  	v43 =	vpop (erf);
	v47 =	vshrl.u32 v9, $0xA;
	v13 =	vand.u32 $0x3F80, v46;
	v9 =	vshrl.u32 v9, $0x18  }
0x108: {  	v4 =	vor.u32 v4, v12;
	v44 =	vsub.f32 v38, v43;
	v7 =	vsel vm7, v42, v7  }
0x109: {  	v11 =	vand.u32 $0x7FFFFFFF, v41;
	v48 =	vshrl.u32 v8, $0xA;
	v14 =	vand.u32 $0x3F80, v47  }
0x10a: {  	[tilespmem:s29+$0xC060] =	vst v3;
	v8 =	vshrl.u32 v8, $0x18;
	v3 =	vor.u32 v6, v13;
	v54 =	vor.u32 $0x4000, v4  }
0x10b: {  	v2 =	vand.u32 $0x7FFFFFFF, v2;
	v49 =	vshrl.u32 v11, $0xA;
	v15 =	vand.u32 $0x3F80, v48  }
0x10c: {  	v52 =	vshrl.u32 v11, $0x18;
	v55 =	vor.u32 v9, v14;
	v56 =	vor.u32 $0x4000, v3  }
0x10d: {  	v4 =	vsel vm9, v54, v4;
	v10 =	vand.u32 $0x7FFFFFFF, v44;
	v50 =	vshrl.u32 v2, $0xA  }
0x10e: {  	[tilespmem:s29+$0xC050] =	vst v5;
	v16 =	vand.u32 $0x3F80, v49;
	v2 =	vshrl.u32 v2, $0x18;
	v8 =	vor.u32 v8, v15  }
0x10f: {  	[tilespmem:s30+$0xC070] =	vst v7;
	v57 =	vor.u32 $0x4000, v55;
	v3 =	vsel vm10, v56, v3;
	v51 =	vshrl.u32 v10, $0xA  }
0x110: {  	[tilespmem:s30+$0xC000] =	vst v4;
	v17 =	vand.u32 $0x3F80, v50;
	v53 =	vshrl.u32 v10, $0x18;
	v58 =	vor.u32 v52, v16  }
0x111: {  	v59 =	vor.u32 $0x4000, v8;
	[tilespmem:s30+$0xC010] =	vst v3;
	v3 =	vsel vm11, v57, v55;
	v18 =	vand.u32 $0x3F80, v51  }
0x112: {  	v2 =	vor.u32 v2, v17;
	v60 =	vor.u32 $0x4000, v58;
	[tilespmem:s30+$0xC020] =	vst v3;
	v3 =	vsel vm12, v59, v8  }
0x113: {  	v61 =	vor.u32 v53, v18;
	v62 =	vor.u32 $0x4000, v2;
	[tilespmem:s30+$0xC030] =	vst v3;
	v3 =	vsel vm13, v60, v58  }
0x114: {  	v63 =	vor.u32 $0x4000, v61;
	[tilespmem:s30+$0xC040] =	vst v3;
	v2 =	vsel vm14, v62, v2  }
0x115: {  	[tilespmem:s30+$0xC050] =	vst v2;
	v2 =	vsel vm15, v63, v61  }
0x116: {  	[tilespmem:s30+$0xC060] =	vst v2  }
0x117: {  	[spmem:s2] =	stream.indirect.scatter.add.f32 [tilespmem:s20], [sflag:$0x2], $0x1, s21, s18, $0xb8;
	[tilespmem:$0xF000] =	vst v63  }
0x118: {  	_ =	swait.ge [sflag:s22], $0x2000  }
0x119: {  	s28 =	sshll.u32 s28, $0x12;
	[sflag:s22] =	ssyncset.done $0x0  }
0x11a: {  	s28 =	sor.u32 s9, s28;
	[sflag:s22] =	ssyncadd.s32 $0xFFFFE000  }
0x11b: {  	s26 =	sor.u32 s26, s28;
	_ =	swait.ge [sflag:s23], $0x2000  }
0x11c: {  	s31 =	sshrl.u32 s10, $0x3;
	s26 =	sshrl.u32 s26, $0x3;
	[sflag:s23] =	ssyncset.done $0x0  }
0x11d: {  	s26 =	sadd.s32 s6, s26;
	s30 =	sshll.u32 s4, $0x6;
	[sflag:s23] =	ssyncadd.s32 $0xFFFFE000  }
.Ltmp9:
0x11e: {  	s28 =	sor.u32 $0x1C03, s30;
	[bflag:$0x0] =	sbarrier.arrive $0xFFFF;
	(pc) =	sbr.rel .LBB2_12-.Ltmp9, $4  }
0x11f: {  	[hbm:s26@s16], [sflag:s28] =	dma.strided [spmem:s31@s24], $0x100, s22, $0x10   }
0x120: {  	_ =	swait.ge [sflag:s13], $0x100  }
0x121: {  	[sflag:s13] =	ssyncset.done $0x0  }
0x122: {  	[sflag:s13] =	ssyncadd.s32 $0xFFFFFF00  }
.LBB2_14:
0x123: {  	_ =	sfence.sel $0x180000  }
0x124: {  	[bflag:$0x0] =	sbarrier.arrive $0xFFFF  }
0x125: {  	p0 =	sne.s32 s4, $0x0;
	_ =	strace $0x90000047  }
0x126: {  	s0 =	sadd.s32 @!p0 $0x100000, s0;
	[bflag:$0x2] =	sbarrier.arrive $0xFFFF  }
0x127: {  	[sflag:s0] =	ssyncadd.tile.s32 @!p0 $0x1;
	_ =	shalt  }
.Lfunc_end2:
_tile_overlayer_lowered:
.L_overlay_start_2:
0x128: {  	(tag) =	ssettag $0x2  }
0x129: {  	s0 =	rddreg [dreg:$0x0];
	s2 =	stileid.u32  }
0x12a: {  	s1 =	rddreg [dreg:$0x1];
	p0 =	sne.s32 s2, $0x0  }
0x12b: {  	s3 =	rddreg [dreg:$0x2];
	[bflag:$0x3] =	sbarrier.arrive $0xFFFF;
	s2 =	simm.s32 @!p0 $0x1C03  }
0x12c: {  	[timem:s3], [sflag:s2] =	dma.local @!p0 [hbm:s0], s1  }
0x12d: {  	s0 =	simm.s32 @!p0 $0x3  }
0x12e: {  	_ =	swait.ge @!p0 [sflag:s0], s1  }
0x12f: {  	s1 =	ssub.s32 @!p0 $0x0, s1;
	[sflag:s0] =	ssyncset.done @!p0 $0x0  }
0x130: {  	[sflag:s0] =	ssyncadd.s32 @!p0 s1  }
0x131: {  	[bflag:$0x3] =	sbarrier.arrive $0xFFFF  }
0x132: {  	_ =	shalt  }

</sc_bundles>
